<compile_context>
chip_gen: v7x
topology: tpu7x:2x2x1
jax: 0.10.2.dev20260603
libtpu: 0.0.44.dev20260713+nightly
codegen_flags: <defaults>
</compile_context>

<pallas_src>
import jax
import jax.numpy as jnp
from jax import lax
from jax.experimental import pallas as pl
from jax.experimental.pallas import tpu as pltpu
from jax.experimental.pallas import tpu_sc as plsc

_D0, _D1, _D2, _C = 128, 128, 128, 32
_NVOX = _D0 * _D1 * _D2
_HALF = _NVOX // 2
_NC, _NS, _L = 2, 16, 16
_N = 200000
_PER_S = 12544
_KCH = _PER_S // 128
_HSTG = 2
_PER_STG = _PER_S // _HSTG
_KSTG = _KCH // _HSTG
_ZB = 4096
_SPM = _HALF + 16
_ZREP = _HALF // _NS // _ZB


def _sc_body(idx_hbm, mask_hbm, shared, x_v, y_v, z_v, lin_v, ones_v, zb_v):
    c = lax.axis_index("c")
    s = lax.axis_index("s")

    def _zset(i, carry):
        zb_v[pl.ds(i * _L, _L)] = jnp.zeros((_L,), jnp.float32)
        return carry

    lax.fori_loop(0, _ZB // _L, _zset, 0)
    for t in range(128 // _L):
        ones_v[pl.ds(t * _L, _L)] = jnp.ones((_L,), jnp.float32)
    zbase = s * (_HALF // _NS)
    for r in range(_ZREP):
        pltpu.sync_copy(zb_v, shared.at[pl.ds(zbase + r * _ZB, _ZB)])
    plsc.subcore_barrier()

    start = s * _PER_S - ((s + 1) >> 4) * (_PER_S * _NS - _N)
    lane = lax.iota(jnp.int32, _L)
    for h in range(_HSTG):
        base = start + h * _PER_STG
        pltpu.sync_copy(idx_hbm.at[pl.ds(base, _PER_STG)], x_v)
        pltpu.sync_copy(idx_hbm.at[pl.ds(_N + base, _PER_STG)], y_v)
        pltpu.sync_copy(idx_hbm.at[pl.ds(2 * _N + base, _PER_STG)], z_v)

        def _chunk(k, carry):
            for t in range(128 // _L):
                off = k * 128 + t * _L
                i0 = x_v[pl.ds(off, _L)]
                i1 = y_v[pl.ds(off, _L)]
                i2 = z_v[pl.ds(off, _L)]
                lin = i0 * (_D1 * _D2) + i1 * _D2 + i2
                loc = lin - c * _HALF
                inb = (loc >= 0) & (loc < _HALF)
                loc = jnp.where(inb, loc, _HALF + lane)
                lin_v[h * _KSTG + k, pl.ds(t * _L, _L)] = loc
            return carry

        lax.fori_loop(0, _KSTG, _chunk, 0)

    def _scat(k, carry):
        pltpu.sync_copy(ones_v, shared.at[lin_v.at[k]], add=True)
        return carry

    lax.fori_loop(0, _KCH, _scat, 0)
    plsc.subcore_barrier()

    n_out = _HALF // _NS
    pltpu.sync_copy(
        shared.at[pl.ds(zbase, n_out)],
        mask_hbm.at[pl.ds(c * _HALF + zbase, n_out)],
    )


_sc_scatter = pl.kernel(
    _sc_body,
    out_type=jax.ShapeDtypeStruct((_NVOX,), jnp.float32),
    mesh=plsc.VectorSubcoreMesh(core_axis_name="c", subcore_axis_name="s"),
    scratch_types=[
        pltpu.VMEM_SHARED((_SPM,), jnp.float32),
        pltpu.VMEM((_PER_STG,), jnp.int32),
        pltpu.VMEM((_PER_STG,), jnp.int32),
        pltpu.VMEM((_PER_STG,), jnp.int32),
        pltpu.VMEM((_KCH, 128), jnp.int32),
        pltpu.VMEM((128,), jnp.float32),
        pltpu.VMEM((_ZB,), jnp.float32),
    ],
)


def _tc_body(mask_ref, feat_ref, out_ref):
    m = mask_ref[...]
    f = feat_ref[...]
    out_ref[...] = jnp.where(m[:, :, None] != 0.0, f, 0.0)


_BROW = 256

_tc_expand = pl.pallas_call(
    _tc_body,
    grid=(_NVOX // 128 // _BROW,),
    in_specs=[
        pl.BlockSpec((_BROW, 128), lambda i: (i, 0)),
        pl.BlockSpec((1, 1, _C), lambda i: (0, 0, 0)),
    ],
    out_specs=pl.BlockSpec((_BROW, 128, _C), lambda i: (i, 0, 0)),
    out_shape=jax.ShapeDtypeStruct((_NVOX // 128, 128, _C), jnp.float32),
    compiler_params=pltpu.CompilerParams(
        dimension_semantics=("arbitrary",),
    ),
)


@jax.jit
def kernel(voxel_features, indices):
    idx_t = indices.astype(jnp.int32).T.reshape(3 * _N)
    mask = _sc_scatter(idx_t)
    mask2 = mask.reshape(_NVOX // 128, 128)
    feat = voxel_features.reshape(1, 1, _C)
    grid = _tc_expand(mask2, feat)
    return grid.reshape(_D0, _D1, _D2, _C)

# --- scband reference (transcript-rebuilt; emitter-appended) ---
"""Pipeline reference for scband-network-11879879543815 (READ-ONLY COPY).

The authoritative reference and input builder live on the scoring server;
editing this copy changes nothing except your own understanding.
"""

import jax, jax.numpy as jnp
import numpy as np

GRID_SHAPE = (128, 128, 128, 32)
N_VOX = 200000
MAX_IDX = 128


def setup_inputs(seed: int = 0) -> dict:
    key = jax.random.key(seed)
    k1, k2 = jax.random.split(key)
    voxel_features = jax.random.normal(k1, (1, 32), dtype=jnp.float32)
    indices = jax.random.randint(k2, (N_VOX, 3), 0, MAX_IDX, dtype=jnp.int32)
    return {"voxel_features": voxel_features, "indices": indices}


def reference(voxel_features, indices):
    # FixedShapeUnique: torch.unique(indices, dim=0) sorts rows lexicographically.
    # Encode rows as linear indices (preserves lex order), take unique, decode.
    D0, D1, D2, C = GRID_SHAPE
    idx = indices.astype(jnp.int32)
    lin = idx[:, 0] * (D1 * D2) + idx[:, 1] * D2 + idx[:, 2]
    uniq = jnp.unique(lin, size=lin.shape[0])
    i0 = uniq // (D1 * D2)
    rem = uniq % (D1 * D2)
    i1 = rem // D2
    i2 = rem % D2
    # CreateVoxelGrid: zero grid, scatter-overwrite features at the U valid
    # (unique) voxel coordinates. voxel_features [1, C] broadcasts over rows,
    # matching torch advanced-indexing assignment semantics.
    vals = jnp.broadcast_to(voxel_features, (uniq.shape[0], C))
    grid = jnp.zeros(GRID_SHAPE, dtype=voxel_features.dtype)
    grid = grid.at[i0, i1, i2].set(vals)
    return grid

if __name__ == "__main__":
    import jax
    _d = setup_inputs()
    print(jax.jit(kernel)(*tuple(_d.values())))

</pallas_src>

<mosaic_0001>
#map = affine_map<(d0, d1) -> (0)>
module attributes {stable_mosaic.version = 14 : i64} {
  func.func @_sc_body(%arg0: i32, %arg1: i32, %arg2: memref<600000xi32, #tpu.memory_space<hbm>>, %arg3: memref<2097152xf32, #tpu.memory_space<hbm>>, %arg4: memref<1048592xf32, #tpu.memory_space<vmem_shared>>, %arg5: memref<6272xi32, #tpu.memory_space<vmem>>, %arg6: memref<6272xi32, #tpu.memory_space<vmem>>, %arg7: memref<6272xi32, #tpu.memory_space<vmem>>, %arg8: memref<98x128xi32, #tpu.memory_space<vmem>>, %arg9: memref<128xf32, #tpu.memory_space<vmem>>, %arg10: memref<4096xf32, #tpu.memory_space<vmem>>) attributes {dimension_semantics = [#tpu.dimension_semantics<core_parallel>, #tpu.dimension_semantics<subcore_parallel>], iteration_bounds = array<i64: 2, 16>, scalar_prefetch = 0 : i64, scratch_operands = 7 : i64, tpu.core_type = #tpu.core_type<sc_vector_subcore>, window_params = [{transform_indices = #map}, {transform_indices = #map}]} {
    %scan3A = arith.constant 0 : i32
    %scan3A_0 = arith.constant 0 : i32
    %scan3A_1 = arith.constant 256 : i32
    %scan3A_2 = arith.addi %scan3A_0, %scan3A_1 : i32
    %scan3A_3 = arith.constant 1 : i32
    scf.for %scan3A_124 = %scan3A_0 to %scan3A_2 step %scan3A_3  : i32 {
      %broadcast_in_dim3A_125 = arith.constant 0.000000e+00 : f32
      %broadcast_in_dim3A_126 = vector.broadcast %broadcast_in_dim3A_125 : f32 to vector<16xf32>
      %mul3A_127 = arith.constant 16 : i32
      %mul3A_128 = arith.muli %scan3A_124, %mul3A_127 : i32
      %swap3A_129 = arith.index_cast %mul3A_128 : i32 to index
      %swap3A_130 = tpu.vector_load %arg10[%swap3A_129] {strides = array<i32>} : memref<4096xf32, #tpu.memory_space<vmem>>, vector<16xf32>,
      %swap3A_131 = vector.shape_cast %swap3A_130 : vector<16xf32> to vector<16xf32>
      %swap3A_132 = vector.shape_cast %broadcast_in_dim3A_126 : vector<16xf32> to vector<16xf32>
      tpu.vector_store %arg10[%swap3A_129], %swap3A_132 {strides = array<i32>} : memref<4096xf32, #tpu.memory_space<vmem>>, vector<16xf32>,
    }
    %scan3A_4 = arith.constant 256 : i32
    %broadcast_in_dim3A = arith.constant 1.000000e+00 : f32
    %broadcast_in_dim3A_5 = vector.broadcast %broadcast_in_dim3A : f32 to vector<16xf32>
    %swap3A = arith.constant 0 : index
    %swap3A_6 = tpu.vector_load %arg9[%swap3A] {strides = array<i32>} : memref<128xf32, #tpu.memory_space<vmem>>, vector<16xf32>,
    %swap3A_7 = vector.shape_cast %swap3A_6 : vector<16xf32> to vector<16xf32>
    %swap3A_8 = vector.shape_cast %broadcast_in_dim3A_5 : vector<16xf32> to vector<16xf32>
    tpu.vector_store %arg9[%swap3A], %swap3A_8 {strides = array<i32>} : memref<128xf32, #tpu.memory_space<vmem>>, vector<16xf32>,
    %broadcast_in_dim3A_9 = arith.constant 1.000000e+00 : f32
    %broadcast_in_dim3A_10 = vector.broadcast %broadcast_in_dim3A_9 : f32 to vector<16xf32>
    %swap3A_11 = arith.constant 16 : index
    %swap3A_12 = tpu.vector_load %arg9[%swap3A_11] {strides = array<i32>} : memref<128xf32, #tpu.memory_space<vmem>>, vector<16xf32>,
    %swap3A_13 = vector.shape_cast %swap3A_12 : vector<16xf32> to vector<16xf32>
    %swap3A_14 = vector.shape_cast %broadcast_in_dim3A_10 : vector<16xf32> to vector<16xf32>
    tpu.vector_store %arg9[%swap3A_11], %swap3A_14 {strides = array<i32>} : memref<128xf32, #tpu.memory_space<vmem>>, vector<16xf32>,
    %broadcast_in_dim3A_15 = arith.constant 1.000000e+00 : f32
    %broadcast_in_dim3A_16 = vector.broadcast %broadcast_in_dim3A_15 : f32 to vector<16xf32>
    %swap3A_17 = arith.constant 32 : index
    %swap3A_18 = tpu.vector_load %arg9[%swap3A_17] {strides = array<i32>} : memref<128xf32, #tpu.memory_space<vmem>>, vector<16xf32>,
    %swap3A_19 = vector.shape_cast %swap3A_18 : vector<16xf32> to vector<16xf32>
    %swap3A_20 = vector.shape_cast %broadcast_in_dim3A_16 : vector<16xf32> to vector<16xf32>
    tpu.vector_store %arg9[%swap3A_17], %swap3A_20 {strides = array<i32>} : memref<128xf32, #tpu.memory_space<vmem>>, vector<16xf32>,
    %broadcast_in_dim3A_21 = arith.constant 1.000000e+00 : f32
    %broadcast_in_dim3A_22 = vector.broadcast %broadcast_in_dim3A_21 : f32 to vector<16xf32>
    %swap3A_23 = arith.constant 48 : index
    %swap3A_24 = tpu.vector_load %arg9[%swap3A_23] {strides = array<i32>} : memref<128xf32, #tpu.memory_space<vmem>>, vector<16xf32>,
    %swap3A_25 = vector.shape_cast %swap3A_24 : vector<16xf32> to vector<16xf32>
    %swap3A_26 = vector.shape_cast %broadcast_in_dim3A_22 : vector<16xf32> to vector<16xf32>
    tpu.vector_store %arg9[%swap3A_23], %swap3A_26 {strides = array<i32>} : memref<128xf32, #tpu.memory_space<vmem>>, vector<16xf32>,
    %broadcast_in_dim3A_27 = arith.constant 1.000000e+00 : f32
    %broadcast_in_dim3A_28 = vector.broadcast %broadcast_in_dim3A_27 : f32 to vector<16xf32>
    %swap3A_29 = arith.constant 64 : index
    %swap3A_30 = tpu.vector_load %arg9[%swap3A_29] {strides = array<i32>} : memref<128xf32, #tpu.memory_space<vmem>>, vector<16xf32>,
    %swap3A_31 = vector.shape_cast %swap3A_30 : vector<16xf32> to vector<16xf32>
    %swap3A_32 = vector.shape_cast %broadcast_in_dim3A_28 : vector<16xf32> to vector<16xf32>
    tpu.vector_store %arg9[%swap3A_29], %swap3A_32 {strides = array<i32>} : memref<128xf32, #tpu.memory_space<vmem>>, vector<16xf32>,
    %broadcast_in_dim3A_33 = arith.constant 1.000000e+00 : f32
    %broadcast_in_dim3A_34 = vector.broadcast %broadcast_in_dim3A_33 : f32 to vector<16xf32>
    %swap3A_35 = arith.constant 80 : index
    %swap3A_36 = tpu.vector_load %arg9[%swap3A_35] {strides = array<i32>} : memref<128xf32, #tpu.memory_space<vmem>>, vector<16xf32>,
    %swap3A_37 = vector.shape_cast %swap3A_36 : vector<16xf32> to vector<16xf32>
    %swap3A_38 = vector.shape_cast %broadcast_in_dim3A_34 : vector<16xf32> to vector<16xf32>
    tpu.vector_store %arg9[%swap3A_35], %swap3A_38 {strides = array<i32>} : memref<128xf32, #tpu.memory_space<vmem>>, vector<16xf32>,
    %broadcast_in_dim3A_39 = arith.constant 1.000000e+00 : f32
    %broadcast_in_dim3A_40 = vector.broadcast %broadcast_in_dim3A_39 : f32 to vector<16xf32>
    %swap3A_41 = arith.constant 96 : index
    %swap3A_42 = tpu.vector_load %arg9[%swap3A_41] {strides = array<i32>} : memref<128xf32, #tpu.memory_space<vmem>>, vector<16xf32>,
    %swap3A_43 = vector.shape_cast %swap3A_42 : vector<16xf32> to vector<16xf32>
    %swap3A_44 = vector.shape_cast %broadcast_in_dim3A_40 : vector<16xf32> to vector<16xf32>
    tpu.vector_store %arg9[%swap3A_41], %swap3A_44 {strides = array<i32>} : memref<128xf32, #tpu.memory_space<vmem>>, vector<16xf32>,
    %broadcast_in_dim3A_45 = arith.constant 1.000000e+00 : f32
    %broadcast_in_dim3A_46 = vector.broadcast %broadcast_in_dim3A_45 : f32 to vector<16xf32>
    %swap3A_47 = arith.constant 112 : index
    %swap3A_48 = tpu.vector_load %arg9[%swap3A_47] {strides = array<i32>} : memref<128xf32, #tpu.memory_space<vmem>>, vector<16xf32>,
    %swap3A_49 = vector.shape_cast %swap3A_48 : vector<16xf32> to vector<16xf32>
    %swap3A_50 = vector.shape_cast %broadcast_in_dim3A_46 : vector<16xf32> to vector<16xf32>
    tpu.vector_store %arg9[%swap3A_47], %swap3A_50 {strides = array<i32>} : memref<128xf32, #tpu.memory_space<vmem>>, vector<16xf32>,
    %mul3A = arith.constant 65536 : i32
    %mul3A_51 = arith.muli %arg1, %mul3A : i32
    %add3A = arith.constant 0 : i32
    %add3A_52 = arith.addi %mul3A_51, %add3A : i32
    "tpu.region"() ({
      %run_scoped3A = tpu.sem_alloc : memref<!tpu.dma_semaphore, #tpu.memory_space<semaphore_mem>>
      %dma_start3A = tpu.memref_slice %arg4[%add3A_52] : memref<1048592xf32, #tpu.memory_space<vmem_shared>> -> memref<4096xf32, #tpu.memory_space<vmem_shared>>
      %dma_start3A_124 = tpu.memref_slice %arg4[%add3A_52] : memref<1048592xf32, #tpu.memory_space<vmem_shared>> -> memref<4096xf32, #tpu.memory_space<vmem_shared>>
      tpu.enqueue_dma source(%arg10 : memref<4096xf32, #tpu.memory_space<vmem>>) target(%dma_start3A_124 : memref<4096xf32, #tpu.memory_space<vmem_shared>>) target_semaphore(%run_scoped3A : memref<!tpu.dma_semaphore, #tpu.memory_space<semaphore_mem>>)
      %dma_wait3A = tpu.memref_slice %arg4[%add3A_52] : memref<1048592xf32, #tpu.memory_space<vmem_shared>> -> memref<4096xf32, #tpu.memory_space<vmem_shared>>
      %dma_wait3A_125 = tpu.memref_slice %arg4[%add3A_52] : memref<1048592xf32, #tpu.memory_space<vmem_shared>> -> memref<4096xf32, #tpu.memory_space<vmem_shared>>
      tpu.wait_dma2 semaphore(%run_scoped3A : memref<!tpu.dma_semaphore, #tpu.memory_space<semaphore_mem>>) src(%arg10 : memref<4096xf32, #tpu.memory_space<vmem>>) dst(%dma_wait3A_125 : memref<4096xf32, #tpu.memory_space<vmem_shared>>)
      tpu.yield
    }) : () -> ()
    %add3A_53 = arith.constant 4096 : i32
    %add3A_54 = arith.addi %mul3A_51, %add3A_53 : i32
    "tpu.region"() ({
      %run_scoped3A = tpu.sem_alloc : memref<!tpu.dma_semaphore, #tpu.memory_space<semaphore_mem>>
      %dma_start3A = tpu.memref_slice %arg4[%add3A_54] : memref<1048592xf32, #tpu.memory_space<vmem_shared>> -> memref<4096xf32, #tpu.memory_space<vmem_shared>>
      %dma_start3A_124 = tpu.memref_slice %arg4[%add3A_54] : memref<1048592xf32, #tpu.memory_space<vmem_shared>> -> memref<4096xf32, #tpu.memory_space<vmem_shared>>
      tpu.enqueue_dma source(%arg10 : memref<4096xf32, #tpu.memory_space<vmem>>) target(%dma_start3A_124 : memref<4096xf32, #tpu.memory_space<vmem_shared>>) target_semaphore(%run_scoped3A : memref<!tpu.dma_semaphore, #tpu.memory_space<semaphore_mem>>)
      %dma_wait3A = tpu.memref_slice %arg4[%add3A_54] : memref<1048592xf32, #tpu.memory_space<vmem_shared>> -> memref<4096xf32, #tpu.memory_space<vmem_shared>>
      %dma_wait3A_125 = tpu.memref_slice %arg4[%add3A_54] : memref<1048592xf32, #tpu.memory_space<vmem_shared>> -> memref<4096xf32, #tpu.memory_space<vmem_shared>>
      tpu.wait_dma2 semaphore(%run_scoped3A : memref<!tpu.dma_semaphore, #tpu.memory_space<semaphore_mem>>) src(%arg10 : memref<4096xf32, #tpu.memory_space<vmem>>) dst(%dma_wait3A_125 : memref<4096xf32, #tpu.memory_space<vmem_shared>>)
      tpu.yield
    }) : () -> ()
    %add3A_55 = arith.constant 8192 : i32
    %add3A_56 = arith.addi %mul3A_51, %add3A_55 : i32
    "tpu.region"() ({
      %run_scoped3A = tpu.sem_alloc : memref<!tpu.dma_semaphore, #tpu.memory_space<semaphore_mem>>
      %dma_start3A = tpu.memref_slice %arg4[%add3A_56] : memref<1048592xf32, #tpu.memory_space<vmem_shared>> -> memref<4096xf32, #tpu.memory_space<vmem_shared>>
      %dma_start3A_124 = tpu.memref_slice %arg4[%add3A_56] : memref<1048592xf32, #tpu.memory_space<vmem_shared>> -> memref<4096xf32, #tpu.memory_space<vmem_shared>>
      tpu.enqueue_dma source(%arg10 : memref<4096xf32, #tpu.memory_space<vmem>>) target(%dma_start3A_124 : memref<4096xf32, #tpu.memory_space<vmem_shared>>) target_semaphore(%run_scoped3A : memref<!tpu.dma_semaphore, #tpu.memory_space<semaphore_mem>>)
      %dma_wait3A = tpu.memref_slice %arg4[%add3A_56] : memref<1048592xf32, #tpu.memory_space<vmem_shared>> -> memref<4096xf32, #tpu.memory_space<vmem_shared>>
      %dma_wait3A_125 = tpu.memref_slice %arg4[%add3A_56] : memref<1048592xf32, #tpu.memory_space<vmem_shared>> -> memref<4096xf32, #tpu.memory_space<vmem_shared>>
      tpu.wait_dma2 semaphore(%run_scoped3A : memref<!tpu.dma_semaphore, #tpu.memory_space<semaphore_mem>>) src(%arg10 : memref<4096xf32, #tpu.memory_space<vmem>>) dst(%dma_wait3A_125 : memref<4096xf32, #tpu.memory_space<vmem_shared>>)
      tpu.yield
    }) : () -> ()
    %add3A_57 = arith.constant 12288 : i32
    %add3A_58 = arith.addi %mul3A_51, %add3A_57 : i32
    "tpu.region"() ({
      %run_scoped3A = tpu.sem_alloc : memref<!tpu.dma_semaphore, #tpu.memory_space<semaphore_mem>>
      %dma_start3A = tpu.memref_slice %arg4[%add3A_58] : memref<1048592xf32, #tpu.memory_space<vmem_shared>> -> memref<4096xf32, #tpu.memory_space<vmem_shared>>
      %dma_start3A_124 = tpu.memref_slice %arg4[%add3A_58] : memref<1048592xf32, #tpu.memory_space<vmem_shared>> -> memref<4096xf32, #tpu.memory_space<vmem_shared>>
      tpu.enqueue_dma source(%arg10 : memref<4096xf32, #tpu.memory_space<vmem>>) target(%dma_start3A_124 : memref<4096xf32, #tpu.memory_space<vmem_shared>>) target_semaphore(%run_scoped3A : memref<!tpu.dma_semaphore, #tpu.memory_space<semaphore_mem>>)
      %dma_wait3A = tpu.memref_slice %arg4[%add3A_58] : memref<1048592xf32, #tpu.memory_space<vmem_shared>> -> memref<4096xf32, #tpu.memory_space<vmem_shared>>
      %dma_wait3A_125 = tpu.memref_slice %arg4[%add3A_58] : memref<1048592xf32, #tpu.memory_space<vmem_shared>> -> memref<4096xf32, #tpu.memory_space<vmem_shared>>
      tpu.wait_dma2 semaphore(%run_scoped3A : memref<!tpu.dma_semaphore, #tpu.memory_space<semaphore_mem>>) src(%arg10 : memref<4096xf32, #tpu.memory_space<vmem>>) dst(%dma_wait3A_125 : memref<4096xf32, #tpu.memory_space<vmem_shared>>)
      tpu.yield
    }) : () -> ()
    %add3A_59 = arith.constant 16384 : i32
    %add3A_60 = arith.addi %mul3A_51, %add3A_59 : i32
    "tpu.region"() ({
      %run_scoped3A = tpu.sem_alloc : memref<!tpu.dma_semaphore, #tpu.memory_space<semaphore_mem>>
      %dma_start3A = tpu.memref_slice %arg4[%add3A_60] : memref<1048592xf32, #tpu.memory_space<vmem_shared>> -> memref<4096xf32, #tpu.memory_space<vmem_shared>>
      %dma_start3A_124 = tpu.memref_slice %arg4[%add3A_60] : memref<1048592xf32, #tpu.memory_space<vmem_shared>> -> memref<4096xf32, #tpu.memory_space<vmem_shared>>
      tpu.enqueue_dma source(%arg10 : memref<4096xf32, #tpu.memory_space<vmem>>) target(%dma_start3A_124 : memref<4096xf32, #tpu.memory_space<vmem_shared>>) target_semaphore(%run_scoped3A : memref<!tpu.dma_semaphore, #tpu.memory_space<semaphore_mem>>)
      %dma_wait3A = tpu.memref_slice %arg4[%add3A_60] : memref<1048592xf32, #tpu.memory_space<vmem_shared>> -> memref<4096xf32, #tpu.memory_space<vmem_shared>>
      %dma_wait3A_125 = tpu.memref_slice %arg4[%add3A_60] : memref<1048592xf32, #tpu.memory_space<vmem_shared>> -> memref<4096xf32, #tpu.memory_space<vmem_shared>>
      tpu.wait_dma2 semaphore(%run_scoped3A : memref<!tpu.dma_semaphore, #tpu.memory_space<semaphore_mem>>) src(%arg10 : memref<4096xf32, #tpu.memory_space<vmem>>) dst(%dma_wait3A_125 : memref<4096xf32, #tpu.memory_space<vmem_shared>>)
      tpu.yield
    }) : () -> ()
    %add3A_61 = arith.constant 20480 : i32
    %add3A_62 = arith.addi %mul3A_51, %add3A_61 : i32
    "tpu.region"() ({
      %run_scoped3A = tpu.sem_alloc : memref<!tpu.dma_semaphore, #tpu.memory_space<semaphore_mem>>
      %dma_start3A = tpu.memref_slice %arg4[%add3A_62] : memref<1048592xf32, #tpu.memory_space<vmem_shared>> -> memref<4096xf32, #tpu.memory_space<vmem_shared>>
      %dma_start3A_124 = tpu.memref_slice %arg4[%add3A_62] : memref<1048592xf32, #tpu.memory_space<vmem_shared>> -> memref<4096xf32, #tpu.memory_space<vmem_shared>>
      tpu.enqueue_dma source(%arg10 : memref<4096xf32, #tpu.memory_space<vmem>>) target(%dma_start3A_124 : memref<4096xf32, #tpu.memory_space<vmem_shared>>) target_semaphore(%run_scoped3A : memref<!tpu.dma_semaphore, #tpu.memory_space<semaphore_mem>>)
      %dma_wait3A = tpu.memref_slice %arg4[%add3A_62] : memref<1048592xf32, #tpu.memory_space<vmem_shared>> -> memref<4096xf32, #tpu.memory_space<vmem_shared>>
      %dma_wait3A_125 = tpu.memref_slice %arg4[%add3A_62] : memref<1048592xf32, #tpu.memory_space<vmem_shared>> -> memref<4096xf32, #tpu.memory_space<vmem_shared>>
      tpu.wait_dma2 semaphore(%run_scoped3A : memref<!tpu.dma_semaphore, #tpu.memory_space<semaphore_mem>>) src(%arg10 : memref<4096xf32, #tpu.memory_space<vmem>>) dst(%dma_wait3A_125 : memref<4096xf32, #tpu.memory_space<vmem_shared>>)
      tpu.yield
    }) : () -> ()
    %add3A_63 = arith.constant 24576 : i32
    %add3A_64 = arith.addi %mul3A_51, %add3A_63 : i32
    "tpu.region"() ({
      %run_scoped3A = tpu.sem_alloc : memref<!tpu.dma_semaphore, #tpu.memory_space<semaphore_mem>>
      %dma_start3A = tpu.memref_slice %arg4[%add3A_64] : memref<1048592xf32, #tpu.memory_space<vmem_shared>> -> memref<4096xf32, #tpu.memory_space<vmem_shared>>
      %dma_start3A_124 = tpu.memref_slice %arg4[%add3A_64] : memref<1048592xf32, #tpu.memory_space<vmem_shared>> -> memref<4096xf32, #tpu.memory_space<vmem_shared>>
      tpu.enqueue_dma source(%arg10 : memref<4096xf32, #tpu.memory_space<vmem>>) target(%dma_start3A_124 : memref<4096xf32, #tpu.memory_space<vmem_shared>>) target_semaphore(%run_scoped3A : memref<!tpu.dma_semaphore, #tpu.memory_space<semaphore_mem>>)
      %dma_wait3A = tpu.memref_slice %arg4[%add3A_64] : memref<1048592xf32, #tpu.memory_space<vmem_shared>> -> memref<4096xf32, #tpu.memory_space<vmem_shared>>
      %dma_wait3A_125 = tpu.memref_slice %arg4[%add3A_64] : memref<1048592xf32, #tpu.memory_space<vmem_shared>> -> memref<4096xf32, #tpu.memory_space<vmem_shared>>
      tpu.wait_dma2 semaphore(%run_scoped3A : memref<!tpu.dma_semaphore, #tpu.memory_space<semaphore_mem>>) src(%arg10 : memref<4096xf32, #tpu.memory_space<vmem>>) dst(%dma_wait3A_125 : memref<4096xf32, #tpu.memory_space<vmem_shared>>)
      tpu.yield
    }) : () -> ()
    %add3A_65 = arith.constant 28672 : i32
    %add3A_66 = arith.addi %mul3A_51, %add3A_65 : i32
    "tpu.region"() ({
      %run_scoped3A = tpu.sem_alloc : memref<!tpu.dma_semaphore, #tpu.memory_space<semaphore_mem>>
      %dma_start3A = tpu.memref_slice %arg4[%add3A_66] : memref<1048592xf32, #tpu.memory_space<vmem_shared>> -> memref<4096xf32, #tpu.memory_space<vmem_shared>>
      %dma_start3A_124 = tpu.memref_slice %arg4[%add3A_66] : memref<1048592xf32, #tpu.memory_space<vmem_shared>> -> memref<4096xf32, #tpu.memory_space<vmem_shared>>
      tpu.enqueue_dma source(%arg10 : memref<4096xf32, #tpu.memory_space<vmem>>) target(%dma_start3A_124 : memref<4096xf32, #tpu.memory_space<vmem_shared>>) target_semaphore(%run_scoped3A : memref<!tpu.dma_semaphore, #tpu.memory_space<semaphore_mem>>)
      %dma_wait3A = tpu.memref_slice %arg4[%add3A_66] : memref<1048592xf32, #tpu.memory_space<vmem_shared>> -> memref<4096xf32, #tpu.memory_space<vmem_shared>>
      %dma_wait3A_125 = tpu.memref_slice %arg4[%add3A_66] : memref<1048592xf32, #tpu.memory_space<vmem_shared>> -> memref<4096xf32, #tpu.memory_space<vmem_shared>>
      tpu.wait_dma2 semaphore(%run_scoped3A : memref<!tpu.dma_semaphore, #tpu.memory_space<semaphore_mem>>) src(%arg10 : memref<4096xf32, #tpu.memory_space<vmem>>) dst(%dma_wait3A_125 : memref<4096xf32, #tpu.memory_space<vmem_shared>>)
      tpu.yield
    }) : () -> ()
    %add3A_67 = arith.constant 32768 : i32
    %add3A_68 = arith.addi %mul3A_51, %add3A_67 : i32
    "tpu.region"() ({
      %run_scoped3A = tpu.sem_alloc : memref<!tpu.dma_semaphore, #tpu.memory_space<semaphore_mem>>
      %dma_start3A = tpu.memref_slice %arg4[%add3A_68] : memref<1048592xf32, #tpu.memory_space<vmem_shared>> -> memref<4096xf32, #tpu.memory_space<vmem_shared>>
      %dma_start3A_124 = tpu.memref_slice %arg4[%add3A_68] : memref<1048592xf32, #tpu.memory_space<vmem_shared>> -> memref<4096xf32, #tpu.memory_space<vmem_shared>>
      tpu.enqueue_dma source(%arg10 : memref<4096xf32, #tpu.memory_space<vmem>>) target(%dma_start3A_124 : memref<4096xf32, #tpu.memory_space<vmem_shared>>) target_semaphore(%run_scoped3A : memref<!tpu.dma_semaphore, #tpu.memory_space<semaphore_mem>>)
      %dma_wait3A = tpu.memref_slice %arg4[%add3A_68] : memref<1048592xf32, #tpu.memory_space<vmem_shared>> -> memref<4096xf32, #tpu.memory_space<vmem_shared>>
      %dma_wait3A_125 = tpu.memref_slice %arg4[%add3A_68] : memref<1048592xf32, #tpu.memory_space<vmem_shared>> -> memref<4096xf32, #tpu.memory_space<vmem_shared>>
      tpu.wait_dma2 semaphore(%run_scoped3A : memref<!tpu.dma_semaphore, #tpu.memory_space<semaphore_mem>>) src(%arg10 : memref<4096xf32, #tpu.memory_space<vmem>>) dst(%dma_wait3A_125 : memref<4096xf32, #tpu.memory_space<vmem_shared>>)
      tpu.yield
    }) : () -> ()
    %add3A_69 = arith.constant 36864 : i32
    %add3A_70 = arith.addi %mul3A_51, %add3A_69 : i32
    "tpu.region"() ({
      %run_scoped3A = tpu.sem_alloc : memref<!tpu.dma_semaphore, #tpu.memory_space<semaphore_mem>>
      %dma_start3A = tpu.memref_slice %arg4[%add3A_70] : memref<1048592xf32, #tpu.memory_space<vmem_shared>> -> memref<4096xf32, #tpu.memory_space<vmem_shared>>
      %dma_start3A_124 = tpu.memref_slice %arg4[%add3A_70] : memref<1048592xf32, #tpu.memory_space<vmem_shared>> -> memref<4096xf32, #tpu.memory_space<vmem_shared>>
      tpu.enqueue_dma source(%arg10 : memref<4096xf32, #tpu.memory_space<vmem>>) target(%dma_start3A_124 : memref<4096xf32, #tpu.memory_space<vmem_shared>>) target_semaphore(%run_scoped3A : memref<!tpu.dma_semaphore, #tpu.memory_space<semaphore_mem>>)
      %dma_wait3A = tpu.memref_slice %arg4[%add3A_70] : memref<1048592xf32, #tpu.memory_space<vmem_shared>> -> memref<4096xf32, #tpu.memory_space<vmem_shared>>
      %dma_wait3A_125 = tpu.memref_slice %arg4[%add3A_70] : memref<1048592xf32, #tpu.memory_space<vmem_shared>> -> memref<4096xf32, #tpu.memory_space<vmem_shared>>
      tpu.wait_dma2 semaphore(%run_scoped3A : memref<!tpu.dma_semaphore, #tpu.memory_space<semaphore_mem>>) src(%arg10 : memref<4096xf32, #tpu.memory_space<vmem>>) dst(%dma_wait3A_125 : memref<4096xf32, #tpu.memory_space<vmem_shared>>)
      tpu.yield
    }) : () -> ()
    %add3A_71 = arith.constant 40960 : i32
    %add3A_72 = arith.addi %mul3A_51, %add3A_71 : i32
    "tpu.region"() ({
      %run_scoped3A = tpu.sem_alloc : memref<!tpu.dma_semaphore, #tpu.memory_space<semaphore_mem>>
      %dma_start3A = tpu.memref_slice %arg4[%add3A_72] : memref<1048592xf32, #tpu.memory_space<vmem_shared>> -> memref<4096xf32, #tpu.memory_space<vmem_shared>>
      %dma_start3A_124 = tpu.memref_slice %arg4[%add3A_72] : memref<1048592xf32, #tpu.memory_space<vmem_shared>> -> memref<4096xf32, #tpu.memory_space<vmem_shared>>
      tpu.enqueue_dma source(%arg10 : memref<4096xf32, #tpu.memory_space<vmem>>) target(%dma_start3A_124 : memref<4096xf32, #tpu.memory_space<vmem_shared>>) target_semaphore(%run_scoped3A : memref<!tpu.dma_semaphore, #tpu.memory_space<semaphore_mem>>)
      %dma_wait3A = tpu.memref_slice %arg4[%add3A_72] : memref<1048592xf32, #tpu.memory_space<vmem_shared>> -> memref<4096xf32, #tpu.memory_space<vmem_shared>>
      %dma_wait3A_125 = tpu.memref_slice %arg4[%add3A_72] : memref<1048592xf32, #tpu.memory_space<vmem_shared>> -> memref<4096xf32, #tpu.memory_space<vmem_shared>>
      tpu.wait_dma2 semaphore(%run_scoped3A : memref<!tpu.dma_semaphore, #tpu.memory_space<semaphore_mem>>) src(%arg10 : memref<4096xf32, #tpu.memory_space<vmem>>) dst(%dma_wait3A_125 : memref<4096xf32, #tpu.memory_space<vmem_shared>>)
      tpu.yield
    }) : () -> ()
    %add3A_73 = arith.constant 45056 : i32
    %add3A_74 = arith.addi %mul3A_51, %add3A_73 : i32
    "tpu.region"() ({
      %run_scoped3A = tpu.sem_alloc : memref<!tpu.dma_semaphore, #tpu.memory_space<semaphore_mem>>
      %dma_start3A = tpu.memref_slice %arg4[%add3A_74] : memref<1048592xf32, #tpu.memory_space<vmem_shared>> -> memref<4096xf32, #tpu.memory_space<vmem_shared>>
      %dma_start3A_124 = tpu.memref_slice %arg4[%add3A_74] : memref<1048592xf32, #tpu.memory_space<vmem_shared>> -> memref<4096xf32, #tpu.memory_space<vmem_shared>>
      tpu.enqueue_dma source(%arg10 : memref<4096xf32, #tpu.memory_space<vmem>>) target(%dma_start3A_124 : memref<4096xf32, #tpu.memory_space<vmem_shared>>) target_semaphore(%run_scoped3A : memref<!tpu.dma_semaphore, #tpu.memory_space<semaphore_mem>>)
      %dma_wait3A = tpu.memref_slice %arg4[%add3A_74] : memref<1048592xf32, #tpu.memory_space<vmem_shared>> -> memref<4096xf32, #tpu.memory_space<vmem_shared>>
      %dma_wait3A_125 = tpu.memref_slice %arg4[%add3A_74] : memref<1048592xf32, #tpu.memory_space<vmem_shared>> -> memref<4096xf32, #tpu.memory_space<vmem_shared>>
      tpu.wait_dma2 semaphore(%run_scoped3A : memref<!tpu.dma_semaphore, #tpu.memory_space<semaphore_mem>>) src(%arg10 : memref<4096xf32, #tpu.memory_space<vmem>>) dst(%dma_wait3A_125 : memref<4096xf32, #tpu.memory_space<vmem_shared>>)
      tpu.yield
    }) : () -> ()
    %add3A_75 = arith.constant 49152 : i32
    %add3A_76 = arith.addi %mul3A_51, %add3A_75 : i32
    "tpu.region"() ({
      %run_scoped3A = tpu.sem_alloc : memref<!tpu.dma_semaphore, #tpu.memory_space<semaphore_mem>>
      %dma_start3A = tpu.memref_slice %arg4[%add3A_76] : memref<1048592xf32, #tpu.memory_space<vmem_shared>> -> memref<4096xf32, #tpu.memory_space<vmem_shared>>
      %dma_start3A_124 = tpu.memref_slice %arg4[%add3A_76] : memref<1048592xf32, #tpu.memory_space<vmem_shared>> -> memref<4096xf32, #tpu.memory_space<vmem_shared>>
      tpu.enqueue_dma source(%arg10 : memref<4096xf32, #tpu.memory_space<vmem>>) target(%dma_start3A_124 : memref<4096xf32, #tpu.memory_space<vmem_shared>>) target_semaphore(%run_scoped3A : memref<!tpu.dma_semaphore, #tpu.memory_space<semaphore_mem>>)
      %dma_wait3A = tpu.memref_slice %arg4[%add3A_76] : memref<1048592xf32, #tpu.memory_space<vmem_shared>> -> memref<4096xf32, #tpu.memory_space<vmem_shared>>
      %dma_wait3A_125 = tpu.memref_slice %arg4[%add3A_76] : memref<1048592xf32, #tpu.memory_space<vmem_shared>> -> memref<4096xf32, #tpu.memory_space<vmem_shared>>
      tpu.wait_dma2 semaphore(%run_scoped3A : memref<!tpu.dma_semaphore, #tpu.memory_space<semaphore_mem>>) src(%arg10 : memref<4096xf32, #tpu.memory_space<vmem>>) dst(%dma_wait3A_125 : memref<4096xf32, #tpu.memory_space<vmem_shared>>)
      tpu.yield
    }) : () -> ()
    %add3A_77 = arith.constant 53248 : i32
    %add3A_78 = arith.addi %mul3A_51, %add3A_77 : i32
    "tpu.region"() ({
      %run_scoped3A = tpu.sem_alloc : memref<!tpu.dma_semaphore, #tpu.memory_space<semaphore_mem>>
      %dma_start3A = tpu.memref_slice %arg4[%add3A_78] : memref<1048592xf32, #tpu.memory_space<vmem_shared>> -> memref<4096xf32, #tpu.memory_space<vmem_shared>>
      %dma_start3A_124 = tpu.memref_slice %arg4[%add3A_78] : memref<1048592xf32, #tpu.memory_space<vmem_shared>> -> memref<4096xf32, #tpu.memory_space<vmem_shared>>
      tpu.enqueue_dma source(%arg10 : memref<4096xf32, #tpu.memory_space<vmem>>) target(%dma_start3A_124 : memref<4096xf32, #tpu.memory_space<vmem_shared>>) target_semaphore(%run_scoped3A : memref<!tpu.dma_semaphore, #tpu.memory_space<semaphore_mem>>)
      %dma_wait3A = tpu.memref_slice %arg4[%add3A_78] : memref<1048592xf32, #tpu.memory_space<vmem_shared>> -> memref<4096xf32, #tpu.memory_space<vmem_shared>>
      %dma_wait3A_125 = tpu.memref_slice %arg4[%add3A_78] : memref<1048592xf32, #tpu.memory_space<vmem_shared>> -> memref<4096xf32, #tpu.memory_space<vmem_shared>>
      tpu.wait_dma2 semaphore(%run_scoped3A : memref<!tpu.dma_semaphore, #tpu.memory_space<semaphore_mem>>) src(%arg10 : memref<4096xf32, #tpu.memory_space<vmem>>) dst(%dma_wait3A_125 : memref<4096xf32, #tpu.memory_space<vmem_shared>>)
      tpu.yield
    }) : () -> ()
    %add3A_79 = arith.constant 57344 : i32
    %add3A_80 = arith.addi %mul3A_51, %add3A_79 : i32
    "tpu.region"() ({
      %run_scoped3A = tpu.sem_alloc : memref<!tpu.dma_semaphore, #tpu.memory_space<semaphore_mem>>
      %dma_start3A = tpu.memref_slice %arg4[%add3A_80] : memref<1048592xf32, #tpu.memory_space<vmem_shared>> -> memref<4096xf32, #tpu.memory_space<vmem_shared>>
      %dma_start3A_124 = tpu.memref_slice %arg4[%add3A_80] : memref<1048592xf32, #tpu.memory_space<vmem_shared>> -> memref<4096xf32, #tpu.memory_space<vmem_shared>>
      tpu.enqueue_dma source(%arg10 : memref<4096xf32, #tpu.memory_space<vmem>>) target(%dma_start3A_124 : memref<4096xf32, #tpu.memory_space<vmem_shared>>) target_semaphore(%run_scoped3A : memref<!tpu.dma_semaphore, #tpu.memory_space<semaphore_mem>>)
      %dma_wait3A = tpu.memref_slice %arg4[%add3A_80] : memref<1048592xf32, #tpu.memory_space<vmem_shared>> -> memref<4096xf32, #tpu.memory_space<vmem_shared>>
      %dma_wait3A_125 = tpu.memref_slice %arg4[%add3A_80] : memref<1048592xf32, #tpu.memory_space<vmem_shared>> -> memref<4096xf32, #tpu.memory_space<vmem_shared>>
      tpu.wait_dma2 semaphore(%run_scoped3A : memref<!tpu.dma_semaphore, #tpu.memory_space<semaphore_mem>>) src(%arg10 : memref<4096xf32, #tpu.memory_space<vmem>>) dst(%dma_wait3A_125 : memref<4096xf32, #tpu.memory_space<vmem_shared>>)
      tpu.yield
    }) : () -> ()
    %add3A_81 = arith.constant 61440 : i32
    %add3A_82 = arith.addi %mul3A_51, %add3A_81 : i32
    "tpu.region"() ({
      %run_scoped3A = tpu.sem_alloc : memref<!tpu.dma_semaphore, #tpu.memory_space<semaphore_mem>>
      %dma_start3A = tpu.memref_slice %arg4[%add3A_82] : memref<1048592xf32, #tpu.memory_space<vmem_shared>> -> memref<4096xf32, #tpu.memory_space<vmem_shared>>
      %dma_start3A_124 = tpu.memref_slice %arg4[%add3A_82] : memref<1048592xf32, #tpu.memory_space<vmem_shared>> -> memref<4096xf32, #tpu.memory_space<vmem_shared>>
      tpu.enqueue_dma source(%arg10 : memref<4096xf32, #tpu.memory_space<vmem>>) target(%dma_start3A_124 : memref<4096xf32, #tpu.memory_space<vmem_shared>>) target_semaphore(%run_scoped3A : memref<!tpu.dma_semaphore, #tpu.memory_space<semaphore_mem>>)
      %dma_wait3A = tpu.memref_slice %arg4[%add3A_82] : memref<1048592xf32, #tpu.memory_space<vmem_shared>> -> memref<4096xf32, #tpu.memory_space<vmem_shared>>
      %dma_wait3A_125 = tpu.memref_slice %arg4[%add3A_82] : memref<1048592xf32, #tpu.memory_space<vmem_shared>> -> memref<4096xf32, #tpu.memory_space<vmem_shared>>
      tpu.wait_dma2 semaphore(%run_scoped3A : memref<!tpu.dma_semaphore, #tpu.memory_space<semaphore_mem>>) src(%arg10 : memref<4096xf32, #tpu.memory_space<vmem>>) dst(%dma_wait3A_125 : memref<4096xf32, #tpu.memory_space<vmem_shared>>)
      tpu.yield
    }) : () -> ()
    %barrier3A = arith.constant 0 : index
    tpu.barrier barrier_id(%barrier3A)
    %mul3A_83 = arith.constant 12544 : i32
    %mul3A_84 = arith.muli %arg1, %mul3A_83 : i32
    %add3A_85 = arith.constant 1 : i32
    %add3A_86 = arith.addi %arg1, %add3A_85 : i32
    %shift_right_arithmetic3A = arith.constant 4 : i32
    %shift_right_arithmetic3A_87 = arith.shrsi %add3A_86, %shift_right_arithmetic3A : i32
    %mul3A_88 = arith.constant 704 : i32
    %mul3A_89 = arith.muli %shift_right_arithmetic3A_87, %mul3A_88 : i32
    %sub3A = arith.subi %mul3A_84, %mul3A_89 : i32
    %iota3A = tpu.iota {dimensions = array<i32: 0>} : vector<16xi32>
    %add3A_90 = arith.constant 0 : i32
    %add3A_91 = arith.addi %sub3A, %add3A_90 : i32
    "tpu.region"() ({
      %run_scoped3A = tpu.sem_alloc : memref<!tpu.dma_semaphore, #tpu.memory_space<semaphore_mem>>
      %dma_start3A = tpu.memref_slice %arg2[%add3A_91] : memref<600000xi32, #tpu.memory_space<hbm>> -> memref<6272xi32, #tpu.memory_space<hbm>>
      %dma_start3A_124 = tpu.memref_slice %arg2[%add3A_91] : memref<600000xi32, #tpu.memory_space<hbm>> -> memref<6272xi32, #tpu.memory_space<hbm>>
      tpu.enqueue_dma source(%dma_start3A_124 : memref<6272xi32, #tpu.memory_space<hbm>>) target(%arg5 : memref<6272xi32, #tpu.memory_space<vmem>>) target_semaphore(%run_scoped3A : memref<!tpu.dma_semaphore, #tpu.memory_space<semaphore_mem>>)
      %dma_wait3A = tpu.memref_slice %arg2[%add3A_91] : memref<600000xi32, #tpu.memory_space<hbm>> -> memref<6272xi32, #tpu.memory_space<hbm>>
      %dma_wait3A_125 = tpu.memref_slice %arg2[%add3A_91] : memref<600000xi32, #tpu.memory_space<hbm>> -> memref<6272xi32, #tpu.memory_space<hbm>>
      tpu.wait_dma2 semaphore(%run_scoped3A : memref<!tpu.dma_semaphore, #tpu.memory_space<semaphore_mem>>) src(%dma_wait3A_125 : memref<6272xi32, #tpu.memory_space<hbm>>) dst(%arg5 : memref<6272xi32, #tpu.memory_space<vmem>>)
      tpu.yield
    }) : () -> ()
    %add3A_92 = arith.constant 200000 : i32
    %add3A_93 = arith.addi %add3A_92, %add3A_91 : i32
    "tpu.region"() ({
      %run_scoped3A = tpu.sem_alloc : memref<!tpu.dma_semaphore, #tpu.memory_space<semaphore_mem>>
      %dma_start3A = tpu.memref_slice %arg2[%add3A_93] : memref<600000xi32, #tpu.memory_space<hbm>> -> memref<6272xi32, #tpu.memory_space<hbm>>
      %dma_start3A_124 = tpu.memref_slice %arg2[%add3A_93] : memref<600000xi32, #tpu.memory_space<hbm>> -> memref<6272xi32, #tpu.memory_space<hbm>>
      tpu.enqueue_dma source(%dma_start3A_124 : memref<6272xi32, #tpu.memory_space<hbm>>) target(%arg6 : memref<6272xi32, #tpu.memory_space<vmem>>) target_semaphore(%run_scoped3A : memref<!tpu.dma_semaphore, #tpu.memory_space<semaphore_mem>>)
      %dma_wait3A = tpu.memref_slice %arg2[%add3A_93] : memref<600000xi32, #tpu.memory_space<hbm>> -> memref<6272xi32, #tpu.memory_space<hbm>>
      %dma_wait3A_125 = tpu.memref_slice %arg2[%add3A_93] : memref<600000xi32, #tpu.memory_space<hbm>> -> memref<6272xi32, #tpu.memory_space<hbm>>
      tpu.wait_dma2 semaphore(%run_scoped3A : memref<!tpu.dma_semaphore, #tpu.memory_space<semaphore_mem>>) src(%dma_wait3A_125 : memref<6272xi32, #tpu.memory_space<hbm>>) dst(%arg6 : memref<6272xi32, #tpu.memory_space<vmem>>)
      tpu.yield
    }) : () -> ()
    %add3A_94 = arith.constant 400000 : i32
    %add3A_95 = arith.addi %add3A_94, %add3A_91 : i32
    "tpu.region"() ({
      %run_scoped3A = tpu.sem_alloc : memref<!tpu.dma_semaphore, #tpu.memory_space<semaphore_mem>>
      %dma_start3A = tpu.memref_slice %arg2[%add3A_95] : memref<600000xi32, #tpu.memory_space<hbm>> -> memref<6272xi32, #tpu.memory_space<hbm>>
      %dma_start3A_124 = tpu.memref_slice %arg2[%add3A_95] : memref<600000xi32, #tpu.memory_space<hbm>> -> memref<6272xi32, #tpu.memory_space<hbm>>
      tpu.enqueue_dma source(%dma_start3A_124 : memref<6272xi32, #tpu.memory_space<hbm>>) target(%arg7 : memref<6272xi32, #tpu.memory_space<vmem>>) target_semaphore(%run_scoped3A : memref<!tpu.dma_semaphore, #tpu.memory_space<semaphore_mem>>)
      %dma_wait3A = tpu.memref_slice %arg2[%add3A_95] : memref<600000xi32, #tpu.memory_space<hbm>> -> memref<6272xi32, #tpu.memory_space<hbm>>
      %dma_wait3A_125 = tpu.memref_slice %arg2[%add3A_95] : memref<600000xi32, #tpu.memory_space<hbm>> -> memref<6272xi32, #tpu.memory_space<hbm>>
      tpu.wait_dma2 semaphore(%run_scoped3A : memref<!tpu.dma_semaphore, #tpu.memory_space<semaphore_mem>>) src(%dma_wait3A_125 : memref<6272xi32, #tpu.memory_space<hbm>>) dst(%arg7 : memref<6272xi32, #tpu.memory_space<vmem>>)
      tpu.yield
    }) : () -> ()
    %scan3A_96 = arith.constant 0 : i32
    %scan3A_97 = arith.constant 0 : i32
    %scan3A_98 = arith.constant 49 : i32
    %scan3A_99 = arith.addi %scan3A_97, %scan3A_98 : i32
    %scan3A_100 = arith.constant 1 : i32
    scf.for %scan3A_124 = %scan3A_97 to %scan3A_99 step %scan3A_100  : i32 {
      %mul3A_125 = arith.constant 128 : i32
      %mul3A_126 = arith.muli %scan3A_124, %mul3A_125 : i32
      %add3A_127 = arith.constant 0 : i32
      %add3A_128 = arith.addi %mul3A_126, %add3A_127 : i32
      %get3A = arith.index_cast %add3A_128 : i32 to index
      %get3A_129 = tpu.vector_load %arg5[%get3A] {strides = array<i32>} : memref<6272xi32, #tpu.memory_space<vmem>>, vector<16xi32>,
      %get3A_130 = vector.shape_cast %get3A_129 : vector<16xi32> to vector<16xi32>
      %get3A_131 = arith.index_cast %add3A_128 : i32 to index
      %get3A_132 = tpu.vector_load %arg6[%get3A_131] {strides = array<i32>} : memref<6272xi32, #tpu.memory_space<vmem>>, vector<16xi32>,
      %get3A_133 = vector.shape_cast %get3A_132 : vector<16xi32> to vector<16xi32>
      %get3A_134 = arith.index_cast %add3A_128 : i32 to index
      %get3A_135 = tpu.vector_load %arg7[%get3A_134] {strides = array<i32>} : memref<6272xi32, #tpu.memory_space<vmem>>, vector<16xi32>,
      %get3A_136 = vector.shape_cast %get3A_135 : vector<16xi32> to vector<16xi32>
      %mul3A_137 = arith.constant 16384 : i32
      %mul3A_138 = vector.broadcast %mul3A_137 : i32 to vector<16xi32>
      %mul3A_139 = arith.muli %get3A_130, %mul3A_138 : vector<16xi32>
      %mul3A_140 = arith.constant 128 : i32
      %mul3A_141 = vector.broadcast %mul3A_140 : i32 to vector<16xi32>
      %mul3A_142 = arith.muli %get3A_133, %mul3A_141 : vector<16xi32>
      %add3A_143 = arith.addi %mul3A_139, %mul3A_142 : vector<16xi32>
      %add3A_144 = arith.addi %add3A_143, %get3A_136 : vector<16xi32>
      %mul3A_145 = arith.constant 1048576 : i32
      %mul3A_146 = arith.muli %arg0, %mul3A_145 : i32
      %sub3A_147 = vector.broadcast %mul3A_146 : i32 to vector<16xi32>
      %sub3A_148 = arith.subi %add3A_144, %sub3A_147 : vector<16xi32>
      %ge3A = arith.constant 0 : i32
      %ge3A_149 = vector.broadcast %ge3A : i32 to vector<16xi32>
      %ge3A_150 = arith.cmpi sge, %sub3A_148, %ge3A_149 : vector<16xi32>
      %lt3A = arith.constant 1048576 : i32
      %lt3A_151 = vector.broadcast %lt3A : i32 to vector<16xi32>
      %lt3A_152 = arith.cmpi slt, %sub3A_148, %lt3A_151 : vector<16xi32>
      %and3A = arith.andi %ge3A_150, %lt3A_152 : vector<16xi1>
      %add3A_153 = arith.constant 1048576 : i32
      %add3A_154 = vector.broadcast %add3A_153 : i32 to vector<16xi32>
      %add3A_155 = arith.addi %add3A_154, %iota3A : vector<16xi32>
      %select_n3A = arith.select %and3A, %sub3A_148, %add3A_155 : vector<16xi1>, vector<16xi32>
      %add3A_156 = arith.constant 0 : i32
      %add3A_157 = arith.addi %add3A_156, %scan3A_124 : i32
      %swap3A_158 = arith.index_cast %add3A_157 : i32 to index
      %swap3A_159 = arith.constant 0 : index
      %swap3A_160 = tpu.vector_load %arg8[%swap3A_158, %swap3A_159] {strides = array<i32>} : memref<98x128xi32, #tpu.memory_space<vmem>>, vector<1x16xi32>,
      %swap3A_161 = vector.shape_cast %swap3A_160 : vector<1x16xi32> to vector<16xi32>
      %swap3A_162 = vector.shape_cast %select_n3A : vector<16xi32> to vector<1x16xi32>
      tpu.vector_store %arg8[%swap3A_158, %swap3A_159], %swap3A_162 {strides = array<i32>} : memref<98x128xi32, #tpu.memory_space<vmem>>, vector<1x16xi32>,
      %mul3A_163 = arith.constant 128 : i32
      %mul3A_164 = arith.muli %scan3A_124, %mul3A_163 : i32
      %add3A_165 = arith.constant 16 : i32
      %add3A_166 = arith.addi %mul3A_164, %add3A_165 : i32
      %get3A_167 = arith.index_cast %add3A_166 : i32 to index
      %get3A_168 = tpu.vector_load %arg5[%get3A_167] {strides = array<i32>} : memref<6272xi32, #tpu.memory_space<vmem>>, vector<16xi32>,
      %get3A_169 = vector.shape_cast %get3A_168 : vector<16xi32> to vector<16xi32>
      %get3A_170 = arith.index_cast %add3A_166 : i32 to index
      %get3A_171 = tpu.vector_load %arg6[%get3A_170] {strides = array<i32>} : memref<6272xi32, #tpu.memory_space<vmem>>, vector<16xi32>,
      %get3A_172 = vector.shape_cast %get3A_171 : vector<16xi32> to vector<16xi32>
      %get3A_173 = arith.index_cast %add3A_166 : i32 to index
      %get3A_174 = tpu.vector_load %arg7[%get3A_173] {strides = array<i32>} : memref<6272xi32, #tpu.memory_space<vmem>>, vector<16xi32>,
      %get3A_175 = vector.shape_cast %get3A_174 : vector<16xi32> to vector<16xi32>
      %mul3A_176 = arith.constant 16384 : i32
      %mul3A_177 = vector.broadcast %mul3A_176 : i32 to vector<16xi32>
      %mul3A_178 = arith.muli %get3A_169, %mul3A_177 : vector<16xi32>
      %mul3A_179 = arith.constant 128 : i32
      %mul3A_180 = vector.broadcast %mul3A_179 : i32 to vector<16xi32>
      %mul3A_181 = arith.muli %get3A_172, %mul3A_180 : vector<16xi32>
      %add3A_182 = arith.addi %mul3A_178, %mul3A_181 : vector<16xi32>
      %add3A_183 = arith.addi %add3A_182, %get3A_175 : vector<16xi32>
      %mul3A_184 = arith.constant 1048576 : i32
      %mul3A_185 = arith.muli %arg0, %mul3A_184 : i32
      %sub3A_186 = vector.broadcast %mul3A_185 : i32 to vector<16xi32>
      %sub3A_187 = arith.subi %add3A_183, %sub3A_186 : vector<16xi32>
      %ge3A_188 = arith.constant 0 : i32
      %ge3A_189 = vector.broadcast %ge3A_188 : i32 to vector<16xi32>
      %ge3A_190 = arith.cmpi sge, %sub3A_187, %ge3A_189 : vector<16xi32>
      %lt3A_191 = arith.constant 1048576 : i32
      %lt3A_192 = vector.broadcast %lt3A_191 : i32 to vector<16xi32>
      %lt3A_193 = arith.cmpi slt, %sub3A_187, %lt3A_192 : vector<16xi32>
      %and3A_194 = arith.andi %ge3A_190, %lt3A_193 : vector<16xi1>
      %add3A_195 = arith.constant 1048576 : i32
      %add3A_196 = vector.broadcast %add3A_195 : i32 to vector<16xi32>
      %add3A_197 = arith.addi %add3A_196, %iota3A : vector<16xi32>
      %select_n3A_198 = arith.select %and3A_194, %sub3A_187, %add3A_197 : vector<16xi1>, vector<16xi32>
      %add3A_199 = arith.constant 0 : i32
      %add3A_200 = arith.addi %add3A_199, %scan3A_124 : i32
      %swap3A_201 = arith.index_cast %add3A_200 : i32 to index
      %swap3A_202 = arith.constant 16 : index
      %swap3A_203 = tpu.vector_load %arg8[%swap3A_201, %swap3A_202] {strides = array<i32>} : memref<98x128xi32, #tpu.memory_space<vmem>>, vector<1x16xi32>,
      %swap3A_204 = vector.shape_cast %swap3A_203 : vector<1x16xi32> to vector<16xi32>
      %swap3A_205 = vector.shape_cast %select_n3A_198 : vector<16xi32> to vector<1x16xi32>
      tpu.vector_store %arg8[%swap3A_201, %swap3A_202], %swap3A_205 {strides = array<i32>} : memref<98x128xi32, #tpu.memory_space<vmem>>, vector<1x16xi32>,
      %mul3A_206 = arith.constant 128 : i32
      %mul3A_207 = arith.muli %scan3A_124, %mul3A_206 : i32
      %add3A_208 = arith.constant 32 : i32
      %add3A_209 = arith.addi %mul3A_207, %add3A_208 : i32
      %get3A_210 = arith.index_cast %add3A_209 : i32 to index
      %get3A_211 = tpu.vector_load %arg5[%get3A_210] {strides = array<i32>} : memref<6272xi32, #tpu.memory_space<vmem>>, vector<16xi32>,
      %get3A_212 = vector.shape_cast %get3A_211 : vector<16xi32> to vector<16xi32>
      %get3A_213 = arith.index_cast %add3A_209 : i32 to index
      %get3A_214 = tpu.vector_load %arg6[%get3A_213] {strides = array<i32>} : memref<6272xi32, #tpu.memory_space<vmem>>, vector<16xi32>,
      %get3A_215 = vector.shape_cast %get3A_214 : vector<16xi32> to vector<16xi32>
      %get3A_216 = arith.index_cast %add3A_209 : i32 to index
      %get3A_217 = tpu.vector_load %arg7[%get3A_216] {strides = array<i32>} : memref<6272xi32, #tpu.memory_space<vmem>>, vector<16xi32>,
      %get3A_218 = vector.shape_cast %get3A_217 : vector<16xi32> to vector<16xi32>
      %mul3A_219 = arith.constant 16384 : i32
      %mul3A_220 = vector.broadcast %mul3A_219 : i32 to vector<16xi32>
      %mul3A_221 = arith.muli %get3A_212, %mul3A_220 : vector<16xi32>
      %mul3A_222 = arith.constant 128 : i32
      %mul3A_223 = vector.broadcast %mul3A_222 : i32 to vector<16xi32>
      %mul3A_224 = arith.muli %get3A_215, %mul3A_223 : vector<16xi32>
      %add3A_225 = arith.addi %mul3A_221, %mul3A_224 : vector<16xi32>
      %add3A_226 = arith.addi %add3A_225, %get3A_218 : vector<16xi32>
      %mul3A_227 = arith.constant 1048576 : i32
      %mul3A_228 = arith.muli %arg0, %mul3A_227 : i32
      %sub3A_229 = vector.broadcast %mul3A_228 : i32 to vector<16xi32>
      %sub3A_230 = arith.subi %add3A_226, %sub3A_229 : vector<16xi32>
      %ge3A_231 = arith.constant 0 : i32
      %ge3A_232 = vector.broadcast %ge3A_231 : i32 to vector<16xi32>
      %ge3A_233 = arith.cmpi sge, %sub3A_230, %ge3A_232 : vector<16xi32>
      %lt3A_234 = arith.constant 1048576 : i32
      %lt3A_235 = vector.broadcast %lt3A_234 : i32 to vector<16xi32>
      %lt3A_236 = arith.cmpi slt, %sub3A_230, %lt3A_235 : vector<16xi32>
      %and3A_237 = arith.andi %ge3A_233, %lt3A_236 : vector<16xi1>
      %add3A_238 = arith.constant 1048576 : i32
      %add3A_239 = vector.broadcast %add3A_238 : i32 to vector<16xi32>
      %add3A_240 = arith.addi %add3A_239, %iota3A : vector<16xi32>
      %select_n3A_241 = arith.select %and3A_237, %sub3A_230, %add3A_240 : vector<16xi1>, vector<16xi32>
      %add3A_242 = arith.constant 0 : i32
      %add3A_243 = arith.addi %add3A_242, %scan3A_124 : i32
      %swap3A_244 = arith.index_cast %add3A_243 : i32 to index
      %swap3A_245 = arith.constant 32 : index
      %swap3A_246 = tpu.vector_load %arg8[%swap3A_244, %swap3A_245] {strides = array<i32>} : memref<98x128xi32, #tpu.memory_space<vmem>>, vector<1x16xi32>,
      %swap3A_247 = vector.shape_cast %swap3A_246 : vector<1x16xi32> to vector<16xi32>
      %swap3A_248 = vector.shape_cast %select_n3A_241 : vector<16xi32> to vector<1x16xi32>
      tpu.vector_store %arg8[%swap3A_244, %swap3A_245], %swap3A_248 {strides = array<i32>} : memref<98x128xi32, #tpu.memory_space<vmem>>, vector<1x16xi32>,
      %mul3A_249 = arith.constant 128 : i32
      %mul3A_250 = arith.muli %scan3A_124, %mul3A_249 : i32
      %add3A_251 = arith.constant 48 : i32
      %add3A_252 = arith.addi %mul3A_250, %add3A_251 : i32
      %get3A_253 = arith.index_cast %add3A_252 : i32 to index
      %get3A_254 = tpu.vector_load %arg5[%get3A_253] {strides = array<i32>} : memref<6272xi32, #tpu.memory_space<vmem>>, vector<16xi32>,
      %get3A_255 = vector.shape_cast %get3A_254 : vector<16xi32> to vector<16xi32>
      %get3A_256 = arith.index_cast %add3A_252 : i32 to index
      %get3A_257 = tpu.vector_load %arg6[%get3A_256] {strides = array<i32>} : memref<6272xi32, #tpu.memory_space<vmem>>, vector<16xi32>,
      %get3A_258 = vector.shape_cast %get3A_257 : vector<16xi32> to vector<16xi32>
      %get3A_259 = arith.index_cast %add3A_252 : i32 to index
      %get3A_260 = tpu.vector_load %arg7[%get3A_259] {strides = array<i32>} : memref<6272xi32, #tpu.memory_space<vmem>>, vector<16xi32>,
      %get3A_261 = vector.shape_cast %get3A_260 : vector<16xi32> to vector<16xi32>
      %mul3A_262 = arith.constant 16384 : i32
      %mul3A_263 = vector.broadcast %mul3A_262 : i32 to vector<16xi32>
      %mul3A_264 = arith.muli %get3A_255, %mul3A_263 : vector<16xi32>
      %mul3A_265 = arith.constant 128 : i32
      %mul3A_266 = vector.broadcast %mul3A_265 : i32 to vector<16xi32>
      %mul3A_267 = arith.muli %get3A_258, %mul3A_266 : vector<16xi32>
      %add3A_268 = arith.addi %mul3A_264, %mul3A_267 : vector<16xi32>
      %add3A_269 = arith.addi %add3A_268, %get3A_261 : vector<16xi32>
      %mul3A_270 = arith.constant 1048576 : i32
      %mul3A_271 = arith.muli %arg0, %mul3A_270 : i32
      %sub3A_272 = vector.broadcast %mul3A_271 : i32 to vector<16xi32>
      %sub3A_273 = arith.subi %add3A_269, %sub3A_272 : vector<16xi32>
      %ge3A_274 = arith.constant 0 : i32
      %ge3A_275 = vector.broadcast %ge3A_274 : i32 to vector<16xi32>
      %ge3A_276 = arith.cmpi sge, %sub3A_273, %ge3A_275 : vector<16xi32>
      %lt3A_277 = arith.constant 1048576 : i32
      %lt3A_278 = vector.broadcast %lt3A_277 : i32 to vector<16xi32>
      %lt3A_279 = arith.cmpi slt, %sub3A_273, %lt3A_278 : vector<16xi32>
      %and3A_280 = arith.andi %ge3A_276, %lt3A_279 : vector<16xi1>
      %add3A_281 = arith.constant 1048576 : i32
      %add3A_282 = vector.broadcast %add3A_281 : i32 to vector<16xi32>
      %add3A_283 = arith.addi %add3A_282, %iota3A : vector<16xi32>
      %select_n3A_284 = arith.select %and3A_280, %sub3A_273, %add3A_283 : vector<16xi1>, vector<16xi32>
      %add3A_285 = arith.constant 0 : i32
      %add3A_286 = arith.addi %add3A_285, %scan3A_124 : i32
      %swap3A_287 = arith.index_cast %add3A_286 : i32 to index
      %swap3A_288 = arith.constant 48 : index
      %swap3A_289 = tpu.vector_load %arg8[%swap3A_287, %swap3A_288] {strides = array<i32>} : memref<98x128xi32, #tpu.memory_space<vmem>>, vector<1x16xi32>,
      %swap3A_290 = vector.shape_cast %swap3A_289 : vector<1x16xi32> to vector<16xi32>
      %swap3A_291 = vector.shape_cast %select_n3A_284 : vector<16xi32> to vector<1x16xi32>
      tpu.vector_store %arg8[%swap3A_287, %swap3A_288], %swap3A_291 {strides = array<i32>} : memref<98x128xi32, #tpu.memory_space<vmem>>, vector<1x16xi32>,
      %mul3A_292 = arith.constant 128 : i32
      %mul3A_293 = arith.muli %scan3A_124, %mul3A_292 : i32
      %add3A_294 = arith.constant 64 : i32
      %add3A_295 = arith.addi %mul3A_293, %add3A_294 : i32
      %get3A_296 = arith.index_cast %add3A_295 : i32 to index
      %get3A_297 = tpu.vector_load %arg5[%get3A_296] {strides = array<i32>} : memref<6272xi32, #tpu.memory_space<vmem>>, vector<16xi32>,
      %get3A_298 = vector.shape_cast %get3A_297 : vector<16xi32> to vector<16xi32>
      %get3A_299 = arith.index_cast %add3A_295 : i32 to index
      %get3A_300 = tpu.vector_load %arg6[%get3A_299] {strides = array<i32>} : memref<6272xi32, #tpu.memory_space<vmem>>, vector<16xi32>,
      %get3A_301 = vector.shape_cast %get3A_300 : vector<16xi32> to vector<16xi32>
      %get3A_302 = arith.index_cast %add3A_295 : i32 to index
      %get3A_303 = tpu.vector_load %arg7[%get3A_302] {strides = array<i32>} : memref<6272xi32, #tpu.memory_space<vmem>>, vector<16xi32>,
      %get3A_304 = vector.shape_cast %get3A_303 : vector<16xi32> to vector<16xi32>
      %mul3A_305 = arith.constant 16384 : i32
      %mul3A_306 = vector.broadcast %mul3A_305 : i32 to vector<16xi32>
      %mul3A_307 = arith.muli %get3A_298, %mul3A_306 : vector<16xi32>
      %mul3A_308 = arith.constant 128 : i32
      %mul3A_309 = vector.broadcast %mul3A_308 : i32 to vector<16xi32>
      %mul3A_310 = arith.muli %get3A_301, %mul3A_309 : vector<16xi32>
      %add3A_311 = arith.addi %mul3A_307, %mul3A_310 : vector<16xi32>
      %add3A_312 = arith.addi %add3A_311, %get3A_304 : vector<16xi32>
      %mul3A_313 = arith.constant 1048576 : i32
      %mul3A_314 = arith.muli %arg0, %mul3A_313 : i32
      %sub3A_315 = vector.broadcast %mul3A_314 : i32 to vector<16xi32>
      %sub3A_316 = arith.subi %add3A_312, %sub3A_315 : vector<16xi32>
      %ge3A_317 = arith.constant 0 : i32
      %ge3A_318 = vector.broadcast %ge3A_317 : i32 to vector<16xi32>
      %ge3A_319 = arith.cmpi sge, %sub3A_316, %ge3A_318 : vector<16xi32>
      %lt3A_320 = arith.constant 1048576 : i32
      %lt3A_321 = vector.broadcast %lt3A_320 : i32 to vector<16xi32>
      %lt3A_322 = arith.cmpi slt, %sub3A_316, %lt3A_321 : vector<16xi32>
      %and3A_323 = arith.andi %ge3A_319, %lt3A_322 : vector<16xi1>
      %add3A_324 = arith.constant 1048576 : i32
      %add3A_325 = vector.broadcast %add3A_324 : i32 to vector<16xi32>
      %add3A_326 = arith.addi %add3A_325, %iota3A : vector<16xi32>
      %select_n3A_327 = arith.select %and3A_323, %sub3A_316, %add3A_326 : vector<16xi1>, vector<16xi32>
      %add3A_328 = arith.constant 0 : i32
      %add3A_329 = arith.addi %add3A_328, %scan3A_124 : i32
      %swap3A_330 = arith.index_cast %add3A_329 : i32 to index
      %swap3A_331 = arith.constant 64 : index
      %swap3A_332 = tpu.vector_load %arg8[%swap3A_330, %swap3A_331] {strides = array<i32>} : memref<98x128xi32, #tpu.memory_space<vmem>>, vector<1x16xi32>,
      %swap3A_333 = vector.shape_cast %swap3A_332 : vector<1x16xi32> to vector<16xi32>
      %swap3A_334 = vector.shape_cast %select_n3A_327 : vector<16xi32> to vector<1x16xi32>
      tpu.vector_store %arg8[%swap3A_330, %swap3A_331], %swap3A_334 {strides = array<i32>} : memref<98x128xi32, #tpu.memory_space<vmem>>, vector<1x16xi32>,
      %mul3A_335 = arith.constant 128 : i32
      %mul3A_336 = arith.muli %scan3A_124, %mul3A_335 : i32
      %add3A_337 = arith.constant 80 : i32
      %add3A_338 = arith.addi %mul3A_336, %add3A_337 : i32
      %get3A_339 = arith.index_cast %add3A_338 : i32 to index
      %get3A_340 = tpu.vector_load %arg5[%get3A_339] {strides = array<i32>} : memref<6272xi32, #tpu.memory_space<vmem>>, vector<16xi32>,
      %get3A_341 = vector.shape_cast %get3A_340 : vector<16xi32> to vector<16xi32>
      %get3A_342 = arith.index_cast %add3A_338 : i32 to index
      %get3A_343 = tpu.vector_load %arg6[%get3A_342] {strides = array<i32>} : memref<6272xi32, #tpu.memory_space<vmem>>, vector<16xi32>,
      %get3A_344 = vector.shape_cast %get3A_343 : vector<16xi32> to vector<16xi32>
      %get3A_345 = arith.index_cast %add3A_338 : i32 to index
      %get3A_346 = tpu.vector_load %arg7[%get3A_345] {strides = array<i32>} : memref<6272xi32, #tpu.memory_space<vmem>>, vector<16xi32>,
      %get3A_347 = vector.shape_cast %get3A_346 : vector<16xi32> to vector<16xi32>
      %mul3A_348 = arith.constant 16384 : i32
      %mul3A_349 = vector.broadcast %mul3A_348 : i32 to vector<16xi32>
      %mul3A_350 = arith.muli %get3A_341, %mul3A_349 : vector<16xi32>
      %mul3A_351 = arith.constant 128 : i32
      %mul3A_352 = vector.broadcast %mul3A_351 : i32 to vector<16xi32>
      %mul3A_353 = arith.muli %get3A_344, %mul3A_352 : vector<16xi32>
      %add3A_354 = arith.addi %mul3A_350, %mul3A_353 : vector<16xi32>
      %add3A_355 = arith.addi %add3A_354, %get3A_347 : vector<16xi32>
      %mul3A_356 = arith.constant 1048576 : i32
      %mul3A_357 = arith.muli %arg0, %mul3A_356 : i32
      %sub3A_358 = vector.broadcast %mul3A_357 : i32 to vector<16xi32>
      %sub3A_359 = arith.subi %add3A_355, %sub3A_358 : vector<16xi32>
      %ge3A_360 = arith.constant 0 : i32
      %ge3A_361 = vector.broadcast %ge3A_360 : i32 to vector<16xi32>
      %ge3A_362 = arith.cmpi sge, %sub3A_359, %ge3A_361 : vector<16xi32>
      %lt3A_363 = arith.constant 1048576 : i32
      %lt3A_364 = vector.broadcast %lt3A_363 : i32 to vector<16xi32>
      %lt3A_365 = arith.cmpi slt, %sub3A_359, %lt3A_364 : vector<16xi32>
      %and3A_366 = arith.andi %ge3A_362, %lt3A_365 : vector<16xi1>
      %add3A_367 = arith.constant 1048576 : i32
      %add3A_368 = vector.broadcast %add3A_367 : i32 to vector<16xi32>
      %add3A_369 = arith.addi %add3A_368, %iota3A : vector<16xi32>
      %select_n3A_370 = arith.select %and3A_366, %sub3A_359, %add3A_369 : vector<16xi1>, vector<16xi32>
      %add3A_371 = arith.constant 0 : i32
      %add3A_372 = arith.addi %add3A_371, %scan3A_124 : i32
      %swap3A_373 = arith.index_cast %add3A_372 : i32 to index
      %swap3A_374 = arith.constant 80 : index
      %swap3A_375 = tpu.vector_load %arg8[%swap3A_373, %swap3A_374] {strides = array<i32>} : memref<98x128xi32, #tpu.memory_space<vmem>>, vector<1x16xi32>,
      %swap3A_376 = vector.shape_cast %swap3A_375 : vector<1x16xi32> to vector<16xi32>
      %swap3A_377 = vector.shape_cast %select_n3A_370 : vector<16xi32> to vector<1x16xi32>
      tpu.vector_store %arg8[%swap3A_373, %swap3A_374], %swap3A_377 {strides = array<i32>} : memref<98x128xi32, #tpu.memory_space<vmem>>, vector<1x16xi32>,
      %mul3A_378 = arith.constant 128 : i32
      %mul3A_379 = arith.muli %scan3A_124, %mul3A_378 : i32
      %add3A_380 = arith.constant 96 : i32
      %add3A_381 = arith.addi %mul3A_379, %add3A_380 : i32
      %get3A_382 = arith.index_cast %add3A_381 : i32 to index
      %get3A_383 = tpu.vector_load %arg5[%get3A_382] {strides = array<i32>} : memref<6272xi32, #tpu.memory_space<vmem>>, vector<16xi32>,
      %get3A_384 = vector.shape_cast %get3A_383 : vector<16xi32> to vector<16xi32>
      %get3A_385 = arith.index_cast %add3A_381 : i32 to index
      %get3A_386 = tpu.vector_load %arg6[%get3A_385] {strides = array<i32>} : memref<6272xi32, #tpu.memory_space<vmem>>, vector<16xi32>,
      %get3A_387 = vector.shape_cast %get3A_386 : vector<16xi32> to vector<16xi32>
      %get3A_388 = arith.index_cast %add3A_381 : i32 to index
      %get3A_389 = tpu.vector_load %arg7[%get3A_388] {strides = array<i32>} : memref<6272xi32, #tpu.memory_space<vmem>>, vector<16xi32>,
      %get3A_390 = vector.shape_cast %get3A_389 : vector<16xi32> to vector<16xi32>
      %mul3A_391 = arith.constant 16384 : i32
      %mul3A_392 = vector.broadcast %mul3A_391 : i32 to vector<16xi32>
      %mul3A_393 = arith.muli %get3A_384, %mul3A_392 : vector<16xi32>
      %mul3A_394 = arith.constant 128 : i32
      %mul3A_395 = vector.broadcast %mul3A_394 : i32 to vector<16xi32>
      %mul3A_396 = arith.muli %get3A_387, %mul3A_395 : vector<16xi32>
      %add3A_397 = arith.addi %mul3A_393, %mul3A_396 : vector<16xi32>
      %add3A_398 = arith.addi %add3A_397, %get3A_390 : vector<16xi32>
      %mul3A_399 = arith.constant 1048576 : i32
      %mul3A_400 = arith.muli %arg0, %mul3A_399 : i32
      %sub3A_401 = vector.broadcast %mul3A_400 : i32 to vector<16xi32>
      %sub3A_402 = arith.subi %add3A_398, %sub3A_401 : vector<16xi32>
      %ge3A_403 = arith.constant 0 : i32
      %ge3A_404 = vector.broadcast %ge3A_403 : i32 to vector<16xi32>
      %ge3A_405 = arith.cmpi sge, %sub3A_402, %ge3A_404 : vector<16xi32>
      %lt3A_406 = arith.constant 1048576 : i32
      %lt3A_407 = vector.broadcast %lt3A_406 : i32 to vector<16xi32>
      %lt3A_408 = arith.cmpi slt, %sub3A_402, %lt3A_407 : vector<16xi32>
      %and3A_409 = arith.andi %ge3A_405, %lt3A_408 : vector<16xi1>
      %add3A_410 = arith.constant 1048576 : i32
      %add3A_411 = vector.broadcast %add3A_410 : i32 to vector<16xi32>
      %add3A_412 = arith.addi %add3A_411, %iota3A : vector<16xi32>
      %select_n3A_413 = arith.select %and3A_409, %sub3A_402, %add3A_412 : vector<16xi1>, vector<16xi32>
      %add3A_414 = arith.constant 0 : i32
      %add3A_415 = arith.addi %add3A_414, %scan3A_124 : i32
      %swap3A_416 = arith.index_cast %add3A_415 : i32 to index
      %swap3A_417 = arith.constant 96 : index
      %swap3A_418 = tpu.vector_load %arg8[%swap3A_416, %swap3A_417] {strides = array<i32>} : memref<98x128xi32, #tpu.memory_space<vmem>>, vector<1x16xi32>,
      %swap3A_419 = vector.shape_cast %swap3A_418 : vector<1x16xi32> to vector<16xi32>
      %swap3A_420 = vector.shape_cast %select_n3A_413 : vector<16xi32> to vector<1x16xi32>
      tpu.vector_store %arg8[%swap3A_416, %swap3A_417], %swap3A_420 {strides = array<i32>} : memref<98x128xi32, #tpu.memory_space<vmem>>, vector<1x16xi32>,
      %mul3A_421 = arith.constant 128 : i32
      %mul3A_422 = arith.muli %scan3A_124, %mul3A_421 : i32
      %add3A_423 = arith.constant 112 : i32
      %add3A_424 = arith.addi %mul3A_422, %add3A_423 : i32
      %get3A_425 = arith.index_cast %add3A_424 : i32 to index
      %get3A_426 = tpu.vector_load %arg5[%get3A_425] {strides = array<i32>} : memref<6272xi32, #tpu.memory_space<vmem>>, vector<16xi32>,
      %get3A_427 = vector.shape_cast %get3A_426 : vector<16xi32> to vector<16xi32>
      %get3A_428 = arith.index_cast %add3A_424 : i32 to index
      %get3A_429 = tpu.vector_load %arg6[%get3A_428] {strides = array<i32>} : memref<6272xi32, #tpu.memory_space<vmem>>, vector<16xi32>,
      %get3A_430 = vector.shape_cast %get3A_429 : vector<16xi32> to vector<16xi32>
      %get3A_431 = arith.index_cast %add3A_424 : i32 to index
      %get3A_432 = tpu.vector_load %arg7[%get3A_431] {strides = array<i32>} : memref<6272xi32, #tpu.memory_space<vmem>>, vector<16xi32>,
      %get3A_433 = vector.shape_cast %get3A_432 : vector<16xi32> to vector<16xi32>
      %mul3A_434 = arith.constant 16384 : i32
      %mul3A_435 = vector.broadcast %mul3A_434 : i32 to vector<16xi32>
      %mul3A_436 = arith.muli %get3A_427, %mul3A_435 : vector<16xi32>
      %mul3A_437 = arith.constant 128 : i32
      %mul3A_438 = vector.broadcast %mul3A_437 : i32 to vector<16xi32>
      %mul3A_439 = arith.muli %get3A_430, %mul3A_438 : vector<16xi32>
      %add3A_440 = arith.addi %mul3A_436, %mul3A_439 : vector<16xi32>
      %add3A_441 = arith.addi %add3A_440, %get3A_433 : vector<16xi32>
      %mul3A_442 = arith.constant 1048576 : i32
      %mul3A_443 = arith.muli %arg0, %mul3A_442 : i32
      %sub3A_444 = vector.broadcast %mul3A_443 : i32 to vector<16xi32>
      %sub3A_445 = arith.subi %add3A_441, %sub3A_444 : vector<16xi32>
      %ge3A_446 = arith.constant 0 : i32
      %ge3A_447 = vector.broadcast %ge3A_446 : i32 to vector<16xi32>
      %ge3A_448 = arith.cmpi sge, %sub3A_445, %ge3A_447 : vector<16xi32>
      %lt3A_449 = arith.constant 1048576 : i32
      %lt3A_450 = vector.broadcast %lt3A_449 : i32 to vector<16xi32>
      %lt3A_451 = arith.cmpi slt, %sub3A_445, %lt3A_450 : vector<16xi32>
      %and3A_452 = arith.andi %ge3A_448, %lt3A_451 : vector<16xi1>
      %add3A_453 = arith.constant 1048576 : i32
      %add3A_454 = vector.broadcast %add3A_453 : i32 to vector<16xi32>
      %add3A_455 = arith.addi %add3A_454, %iota3A : vector<16xi32>
      %select_n3A_456 = arith.select %and3A_452, %sub3A_445, %add3A_455 : vector<16xi1>, vector<16xi32>
      %add3A_457 = arith.constant 0 : i32
      %add3A_458 = arith.addi %add3A_457, %scan3A_124 : i32
      %swap3A_459 = arith.index_cast %add3A_458 : i32 to index
      %swap3A_460 = arith.constant 112 : index
      %swap3A_461 = tpu.vector_load %arg8[%swap3A_459, %swap3A_460] {strides = array<i32>} : memref<98x128xi32, #tpu.memory_space<vmem>>, vector<1x16xi32>,
      %swap3A_462 = vector.shape_cast %swap3A_461 : vector<1x16xi32> to vector<16xi32>
      %swap3A_463 = vector.shape_cast %select_n3A_456 : vector<16xi32> to vector<1x16xi32>
      tpu.vector_store %arg8[%swap3A_459, %swap3A_460], %swap3A_463 {strides = array<i32>} : memref<98x128xi32, #tpu.memory_space<vmem>>, vector<1x16xi32>,
    }
    %scan3A_101 = arith.constant 49 : i32
    %add3A_102 = arith.constant 6272 : i32
    %add3A_103 = arith.addi %sub3A, %add3A_102 : i32
    "tpu.region"() ({
      %run_scoped3A = tpu.sem_alloc : memref<!tpu.dma_semaphore, #tpu.memory_space<semaphore_mem>>
      %dma_start3A = tpu.memref_slice %arg2[%add3A_103] : memref<600000xi32, #tpu.memory_space<hbm>> -> memref<6272xi32, #tpu.memory_space<hbm>>
      %dma_start3A_124 = tpu.memref_slice %arg2[%add3A_103] : memref<600000xi32, #tpu.memory_space<hbm>> -> memref<6272xi32, #tpu.memory_space<hbm>>
      tpu.enqueue_dma source(%dma_start3A_124 : memref<6272xi32, #tpu.memory_space<hbm>>) target(%arg5 : memref<6272xi32, #tpu.memory_space<vmem>>) target_semaphore(%run_scoped3A : memref<!tpu.dma_semaphore, #tpu.memory_space<semaphore_mem>>)
      %dma_wait3A = tpu.memref_slice %arg2[%add3A_103] : memref<600000xi32, #tpu.memory_space<hbm>> -> memref<6272xi32, #tpu.memory_space<hbm>>
      %dma_wait3A_125 = tpu.memref_slice %arg2[%add3A_103] : memref<600000xi32, #tpu.memory_space<hbm>> -> memref<6272xi32, #tpu.memory_space<hbm>>
      tpu.wait_dma2 semaphore(%run_scoped3A : memref<!tpu.dma_semaphore, #tpu.memory_space<semaphore_mem>>) src(%dma_wait3A_125 : memref<6272xi32, #tpu.memory_space<hbm>>) dst(%arg5 : memref<6272xi32, #tpu.memory_space<vmem>>)
      tpu.yield
    }) : () -> ()
    %add3A_104 = arith.constant 200000 : i32
    %add3A_105 = arith.addi %add3A_104, %add3A_103 : i32
    "tpu.region"() ({
      %run_scoped3A = tpu.sem_alloc : memref<!tpu.dma_semaphore, #tpu.memory_space<semaphore_mem>>
      %dma_start3A = tpu.memref_slice %arg2[%add3A_105] : memref<600000xi32, #tpu.memory_space<hbm>> -> memref<6272xi32, #tpu.memory_space<hbm>>
      %dma_start3A_124 = tpu.memref_slice %arg2[%add3A_105] : memref<600000xi32, #tpu.memory_space<hbm>> -> memref<6272xi32, #tpu.memory_space<hbm>>
      tpu.enqueue_dma source(%dma_start3A_124 : memref<6272xi32, #tpu.memory_space<hbm>>) target(%arg6 : memref<6272xi32, #tpu.memory_space<vmem>>) target_semaphore(%run_scoped3A : memref<!tpu.dma_semaphore, #tpu.memory_space<semaphore_mem>>)
      %dma_wait3A = tpu.memref_slice %arg2[%add3A_105] : memref<600000xi32, #tpu.memory_space<hbm>> -> memref<6272xi32, #tpu.memory_space<hbm>>
      %dma_wait3A_125 = tpu.memref_slice %arg2[%add3A_105] : memref<600000xi32, #tpu.memory_space<hbm>> -> memref<6272xi32, #tpu.memory_space<hbm>>
      tpu.wait_dma2 semaphore(%run_scoped3A : memref<!tpu.dma_semaphore, #tpu.memory_space<semaphore_mem>>) src(%dma_wait3A_125 : memref<6272xi32, #tpu.memory_space<hbm>>) dst(%arg6 : memref<6272xi32, #tpu.memory_space<vmem>>)
      tpu.yield
    }) : () -> ()
    %add3A_106 = arith.constant 400000 : i32
    %add3A_107 = arith.addi %add3A_106, %add3A_103 : i32
    "tpu.region"() ({
      %run_scoped3A = tpu.sem_alloc : memref<!tpu.dma_semaphore, #tpu.memory_space<semaphore_mem>>
      %dma_start3A = tpu.memref_slice %arg2[%add3A_107] : memref<600000xi32, #tpu.memory_space<hbm>> -> memref<6272xi32, #tpu.memory_space<hbm>>
      %dma_start3A_124 = tpu.memref_slice %arg2[%add3A_107] : memref<600000xi32, #tpu.memory_space<hbm>> -> memref<6272xi32, #tpu.memory_space<hbm>>
      tpu.enqueue_dma source(%dma_start3A_124 : memref<6272xi32, #tpu.memory_space<hbm>>) target(%arg7 : memref<6272xi32, #tpu.memory_space<vmem>>) target_semaphore(%run_scoped3A : memref<!tpu.dma_semaphore, #tpu.memory_space<semaphore_mem>>)
      %dma_wait3A = tpu.memref_slice %arg2[%add3A_107] : memref<600000xi32, #tpu.memory_space<hbm>> -> memref<6272xi32, #tpu.memory_space<hbm>>
      %dma_wait3A_125 = tpu.memref_slice %arg2[%add3A_107] : memref<600000xi32, #tpu.memory_space<hbm>> -> memref<6272xi32, #tpu.memory_space<hbm>>
      tpu.wait_dma2 semaphore(%run_scoped3A : memref<!tpu.dma_semaphore, #tpu.memory_space<semaphore_mem>>) src(%dma_wait3A_125 : memref<6272xi32, #tpu.memory_space<hbm>>) dst(%arg7 : memref<6272xi32, #tpu.memory_space<vmem>>)
      tpu.yield
    }) : () -> ()
    %scan3A_108 = arith.constant 0 : i32
    %scan3A_109 = arith.constant 0 : i32
    %scan3A_110 = arith.constant 49 : i32
    %scan3A_111 = arith.addi %scan3A_109, %scan3A_110 : i32
    %scan3A_112 = arith.constant 1 : i32
    scf.for %scan3A_124 = %scan3A_109 to %scan3A_111 step %scan3A_112  : i32 {
      %mul3A_125 = arith.constant 128 : i32
      %mul3A_126 = arith.muli %scan3A_124, %mul3A_125 : i32
      %add3A_127 = arith.constant 0 : i32
      %add3A_128 = arith.addi %mul3A_126, %add3A_127 : i32
      %get3A = arith.index_cast %add3A_128 : i32 to index
      %get3A_129 = tpu.vector_load %arg5[%get3A] {strides = array<i32>} : memref<6272xi32, #tpu.memory_space<vmem>>, vector<16xi32>,
      %get3A_130 = vector.shape_cast %get3A_129 : vector<16xi32> to vector<16xi32>
      %get3A_131 = arith.index_cast %add3A_128 : i32 to index
      %get3A_132 = tpu.vector_load %arg6[%get3A_131] {strides = array<i32>} : memref<6272xi32, #tpu.memory_space<vmem>>, vector<16xi32>,
      %get3A_133 = vector.shape_cast %get3A_132 : vector<16xi32> to vector<16xi32>
      %get3A_134 = arith.index_cast %add3A_128 : i32 to index
      %get3A_135 = tpu.vector_load %arg7[%get3A_134] {strides = array<i32>} : memref<6272xi32, #tpu.memory_space<vmem>>, vector<16xi32>,
      %get3A_136 = vector.shape_cast %get3A_135 : vector<16xi32> to vector<16xi32>
      %mul3A_137 = arith.constant 16384 : i32
      %mul3A_138 = vector.broadcast %mul3A_137 : i32 to vector<16xi32>
      %mul3A_139 = arith.muli %get3A_130, %mul3A_138 : vector<16xi32>
      %mul3A_140 = arith.constant 128 : i32
      %mul3A_141 = vector.broadcast %mul3A_140 : i32 to vector<16xi32>
      %mul3A_142 = arith.muli %get3A_133, %mul3A_141 : vector<16xi32>
      %add3A_143 = arith.addi %mul3A_139, %mul3A_142 : vector<16xi32>
      %add3A_144 = arith.addi %add3A_143, %get3A_136 : vector<16xi32>
      %mul3A_145 = arith.constant 1048576 : i32
      %mul3A_146 = arith.muli %arg0, %mul3A_145 : i32
      %sub3A_147 = vector.broadcast %mul3A_146 : i32 to vector<16xi32>
      %sub3A_148 = arith.subi %add3A_144, %sub3A_147 : vector<16xi32>
      %ge3A = arith.constant 0 : i32
      %ge3A_149 = vector.broadcast %ge3A : i32 to vector<16xi32>
      %ge3A_150 = arith.cmpi sge, %sub3A_148, %ge3A_149 : vector<16xi32>
      %lt3A = arith.constant 1048576 : i32
      %lt3A_151 = vector.broadcast %lt3A : i32 to vector<16xi32>
      %lt3A_152 = arith.cmpi slt, %sub3A_148, %lt3A_151 : vector<16xi32>
      %and3A = arith.andi %ge3A_150, %lt3A_152 : vector<16xi1>
      %add3A_153 = arith.constant 1048576 : i32
      %add3A_154 = vector.broadcast %add3A_153 : i32 to vector<16xi32>
      %add3A_155 = arith.addi %add3A_154, %iota3A : vector<16xi32>
      %select_n3A = arith.select %and3A, %sub3A_148, %add3A_155 : vector<16xi1>, vector<16xi32>
      %add3A_156 = arith.constant 49 : i32
      %add3A_157 = arith.addi %add3A_156, %scan3A_124 : i32
      %swap3A_158 = arith.index_cast %add3A_157 : i32 to index
      %swap3A_159 = arith.constant 0 : index
      %swap3A_160 = tpu.vector_load %arg8[%swap3A_158, %swap3A_159] {strides = array<i32>} : memref<98x128xi32, #tpu.memory_space<vmem>>, vector<1x16xi32>,
      %swap3A_161 = vector.shape_cast %swap3A_160 : vector<1x16xi32> to vector<16xi32>
      %swap3A_162 = vector.shape_cast %select_n3A : vector<16xi32> to vector<1x16xi32>
      tpu.vector_store %arg8[%swap3A_158, %swap3A_159], %swap3A_162 {strides = array<i32>} : memref<98x128xi32, #tpu.memory_space<vmem>>, vector<1x16xi32>,
      %mul3A_163 = arith.constant 128 : i32
      %mul3A_164 = arith.muli %scan3A_124, %mul3A_163 : i32
      %add3A_165 = arith.constant 16 : i32
      %add3A_166 = arith.addi %mul3A_164, %add3A_165 : i32
      %get3A_167 = arith.index_cast %add3A_166 : i32 to index
      %get3A_168 = tpu.vector_load %arg5[%get3A_167] {strides = array<i32>} : memref<6272xi32, #tpu.memory_space<vmem>>, vector<16xi32>,
      %get3A_169 = vector.shape_cast %get3A_168 : vector<16xi32> to vector<16xi32>
      %get3A_170 = arith.index_cast %add3A_166 : i32 to index
      %get3A_171 = tpu.vector_load %arg6[%get3A_170] {strides = array<i32>} : memref<6272xi32, #tpu.memory_space<vmem>>, vector<16xi32>,
      %get3A_172 = vector.shape_cast %get3A_171 : vector<16xi32> to vector<16xi32>
      %get3A_173 = arith.index_cast %add3A_166 : i32 to index
      %get3A_174 = tpu.vector_load %arg7[%get3A_173] {strides = array<i32>} : memref<6272xi32, #tpu.memory_space<vmem>>, vector<16xi32>,
      %get3A_175 = vector.shape_cast %get3A_174 : vector<16xi32> to vector<16xi32>
      %mul3A_176 = arith.constant 16384 : i32
      %mul3A_177 = vector.broadcast %mul3A_176 : i32 to vector<16xi32>
      %mul3A_178 = arith.muli %get3A_169, %mul3A_177 : vector<16xi32>
      %mul3A_179 = arith.constant 128 : i32
      %mul3A_180 = vector.broadcast %mul3A_179 : i32 to vector<16xi32>
      %mul3A_181 = arith.muli %get3A_172, %mul3A_180 : vector<16xi32>
      %add3A_182 = arith.addi %mul3A_178, %mul3A_181 : vector<16xi32>
      %add3A_183 = arith.addi %add3A_182, %get3A_175 : vector<16xi32>
      %mul3A_184 = arith.constant 1048576 : i32
      %mul3A_185 = arith.muli %arg0, %mul3A_184 : i32
      %sub3A_186 = vector.broadcast %mul3A_185 : i32 to vector<16xi32>
      %sub3A_187 = arith.subi %add3A_183, %sub3A_186 : vector<16xi32>
      %ge3A_188 = arith.constant 0 : i32
      %ge3A_189 = vector.broadcast %ge3A_188 : i32 to vector<16xi32>
      %ge3A_190 = arith.cmpi sge, %sub3A_187, %ge3A_189 : vector<16xi32>
      %lt3A_191 = arith.constant 1048576 : i32
      %lt3A_192 = vector.broadcast %lt3A_191 : i32 to vector<16xi32>
      %lt3A_193 = arith.cmpi slt, %sub3A_187, %lt3A_192 : vector<16xi32>
      %and3A_194 = arith.andi %ge3A_190, %lt3A_193 : vector<16xi1>
      %add3A_195 = arith.constant 1048576 : i32
      %add3A_196 = vector.broadcast %add3A_195 : i32 to vector<16xi32>
      %add3A_197 = arith.addi %add3A_196, %iota3A : vector<16xi32>
      %select_n3A_198 = arith.select %and3A_194, %sub3A_187, %add3A_197 : vector<16xi1>, vector<16xi32>
      %add3A_199 = arith.constant 49 : i32
      %add3A_200 = arith.addi %add3A_199, %scan3A_124 : i32
      %swap3A_201 = arith.index_cast %add3A_200 : i32 to index
      %swap3A_202 = arith.constant 16 : index
      %swap3A_203 = tpu.vector_load %arg8[%swap3A_201, %swap3A_202] {strides = array<i32>} : memref<98x128xi32, #tpu.memory_space<vmem>>, vector<1x16xi32>,
      %swap3A_204 = vector.shape_cast %swap3A_203 : vector<1x16xi32> to vector<16xi32>
      %swap3A_205 = vector.shape_cast %select_n3A_198 : vector<16xi32> to vector<1x16xi32>
      tpu.vector_store %arg8[%swap3A_201, %swap3A_202], %swap3A_205 {strides = array<i32>} : memref<98x128xi32, #tpu.memory_space<vmem>>, vector<1x16xi32>,
      %mul3A_206 = arith.constant 128 : i32
      %mul3A_207 = arith.muli %scan3A_124, %mul3A_206 : i32
      %add3A_208 = arith.constant 32 : i32
      %add3A_209 = arith.addi %mul3A_207, %add3A_208 : i32
      %get3A_210 = arith.index_cast %add3A_209 : i32 to index
      %get3A_211 = tpu.vector_load %arg5[%get3A_210] {strides = array<i32>} : memref<6272xi32, #tpu.memory_space<vmem>>, vector<16xi32>,
      %get3A_212 = vector.shape_cast %get3A_211 : vector<16xi32> to vector<16xi32>
      %get3A_213 = arith.index_cast %add3A_209 : i32 to index
      %get3A_214 = tpu.vector_load %arg6[%get3A_213] {strides = array<i32>} : memref<6272xi32, #tpu.memory_space<vmem>>, vector<16xi32>,
      %get3A_215 = vector.shape_cast %get3A_214 : vector<16xi32> to vector<16xi32>
      %get3A_216 = arith.index_cast %add3A_209 : i32 to index
      %get3A_217 = tpu.vector_load %arg7[%get3A_216] {strides = array<i32>} : memref<6272xi32, #tpu.memory_space<vmem>>, vector<16xi32>,
      %get3A_218 = vector.shape_cast %get3A_217 : vector<16xi32> to vector<16xi32>
      %mul3A_219 = arith.constant 16384 : i32
      %mul3A_220 = vector.broadcast %mul3A_219 : i32 to vector<16xi32>
      %mul3A_221 = arith.muli %get3A_212, %mul3A_220 : vector<16xi32>
      %mul3A_222 = arith.constant 128 : i32
      %mul3A_223 = vector.broadcast %mul3A_222 : i32 to vector<16xi32>
      %mul3A_224 = arith.muli %get3A_215, %mul3A_223 : vector<16xi32>
      %add3A_225 = arith.addi %mul3A_221, %mul3A_224 : vector<16xi32>
      %add3A_226 = arith.addi %add3A_225, %get3A_218 : vector<16xi32>
      %mul3A_227 = arith.constant 1048576 : i32
      %mul3A_228 = arith.muli %arg0, %mul3A_227 : i32
      %sub3A_229 = vector.broadcast %mul3A_228 : i32 to vector<16xi32>
      %sub3A_230 = arith.subi %add3A_226, %sub3A_229 : vector<16xi32>
      %ge3A_231 = arith.constant 0 : i32
      %ge3A_232 = vector.broadcast %ge3A_231 : i32 to vector<16xi32>
      %ge3A_233 = arith.cmpi sge, %sub3A_230, %ge3A_232 : vector<16xi32>
      %lt3A_234 = arith.constant 1048576 : i32
      %lt3A_235 = vector.broadcast %lt3A_234 : i32 to vector<16xi32>
      %lt3A_236 = arith.cmpi slt, %sub3A_230, %lt3A_235 : vector<16xi32>
      %and3A_237 = arith.andi %ge3A_233, %lt3A_236 : vector<16xi1>
      %add3A_238 = arith.constant 1048576 : i32
      %add3A_239 = vector.broadcast %add3A_238 : i32 to vector<16xi32>
      %add3A_240 = arith.addi %add3A_239, %iota3A : vector<16xi32>
      %select_n3A_241 = arith.select %and3A_237, %sub3A_230, %add3A_240 : vector<16xi1>, vector<16xi32>
      %add3A_242 = arith.constant 49 : i32
      %add3A_243 = arith.addi %add3A_242, %scan3A_124 : i32
      %swap3A_244 = arith.index_cast %add3A_243 : i32 to index
      %swap3A_245 = arith.constant 32 : index
      %swap3A_246 = tpu.vector_load %arg8[%swap3A_244, %swap3A_245] {strides = array<i32>} : memref<98x128xi32, #tpu.memory_space<vmem>>, vector<1x16xi32>,
      %swap3A_247 = vector.shape_cast %swap3A_246 : vector<1x16xi32> to vector<16xi32>
      %swap3A_248 = vector.shape_cast %select_n3A_241 : vector<16xi32> to vector<1x16xi32>
      tpu.vector_store %arg8[%swap3A_244, %swap3A_245], %swap3A_248 {strides = array<i32>} : memref<98x128xi32, #tpu.memory_space<vmem>>, vector<1x16xi32>,
      %mul3A_249 = arith.constant 128 : i32
      %mul3A_250 = arith.muli %scan3A_124, %mul3A_249 : i32
      %add3A_251 = arith.constant 48 : i32
      %add3A_252 = arith.addi %mul3A_250, %add3A_251 : i32
      %get3A_253 = arith.index_cast %add3A_252 : i32 to index
      %get3A_254 = tpu.vector_load %arg5[%get3A_253] {strides = array<i32>} : memref<6272xi32, #tpu.memory_space<vmem>>, vector<16xi32>,
      %get3A_255 = vector.shape_cast %get3A_254 : vector<16xi32> to vector<16xi32>
      %get3A_256 = arith.index_cast %add3A_252 : i32 to index
      %get3A_257 = tpu.vector_load %arg6[%get3A_256] {strides = array<i32>} : memref<6272xi32, #tpu.memory_space<vmem>>, vector<16xi32>,
      %get3A_258 = vector.shape_cast %get3A_257 : vector<16xi32> to vector<16xi32>
      %get3A_259 = arith.index_cast %add3A_252 : i32 to index
      %get3A_260 = tpu.vector_load %arg7[%get3A_259] {strides = array<i32>} : memref<6272xi32, #tpu.memory_space<vmem>>, vector<16xi32>,
      %get3A_261 = vector.shape_cast %get3A_260 : vector<16xi32> to vector<16xi32>
      %mul3A_262 = arith.constant 16384 : i32
      %mul3A_263 = vector.broadcast %mul3A_262 : i32 to vector<16xi32>
      %mul3A_264 = arith.muli %get3A_255, %mul3A_263 : vector<16xi32>
      %mul3A_265 = arith.constant 128 : i32
      %mul3A_266 = vector.broadcast %mul3A_265 : i32 to vector<16xi32>
      %mul3A_267 = arith.muli %get3A_258, %mul3A_266 : vector<16xi32>
      %add3A_268 = arith.addi %mul3A_264, %mul3A_267 : vector<16xi32>
      %add3A_269 = arith.addi %add3A_268, %get3A_261 : vector<16xi32>
      %mul3A_270 = arith.constant 1048576 : i32
      %mul3A_271 = arith.muli %arg0, %mul3A_270 : i32
      %sub3A_272 = vector.broadcast %mul3A_271 : i32 to vector<16xi32>
      %sub3A_273 = arith.subi %add3A_269, %sub3A_272 : vector<16xi32>
      %ge3A_274 = arith.constant 0 : i32
      %ge3A_275 = vector.broadcast %ge3A_274 : i32 to vector<16xi32>
      %ge3A_276 = arith.cmpi sge, %sub3A_273, %ge3A_275 : vector<16xi32>
      %lt3A_277 = arith.constant 1048576 : i32
      %lt3A_278 = vector.broadcast %lt3A_277 : i32 to vector<16xi32>
      %lt3A_279 = arith.cmpi slt, %sub3A_273, %lt3A_278 : vector<16xi32>
      %and3A_280 = arith.andi %ge3A_276, %lt3A_279 : vector<16xi1>
      %add3A_281 = arith.constant 1048576 : i32
      %add3A_282 = vector.broadcast %add3A_281 : i32 to vector<16xi32>
      %add3A_283 = arith.addi %add3A_282, %iota3A : vector<16xi32>
      %select_n3A_284 = arith.select %and3A_280, %sub3A_273, %add3A_283 : vector<16xi1>, vector<16xi32>
      %add3A_285 = arith.constant 49 : i32
      %add3A_286 = arith.addi %add3A_285, %scan3A_124 : i32
      %swap3A_287 = arith.index_cast %add3A_286 : i32 to index
      %swap3A_288 = arith.constant 48 : index
      %swap3A_289 = tpu.vector_load %arg8[%swap3A_287, %swap3A_288] {strides = array<i32>} : memref<98x128xi32, #tpu.memory_space<vmem>>, vector<1x16xi32>,
      %swap3A_290 = vector.shape_cast %swap3A_289 : vector<1x16xi32> to vector<16xi32>
      %swap3A_291 = vector.shape_cast %select_n3A_284 : vector<16xi32> to vector<1x16xi32>
      tpu.vector_store %arg8[%swap3A_287, %swap3A_288], %swap3A_291 {strides = array<i32>} : memref<98x128xi32, #tpu.memory_space<vmem>>, vector<1x16xi32>,
      %mul3A_292 = arith.constant 128 : i32
      %mul3A_293 = arith.muli %scan3A_124, %mul3A_292 : i32
      %add3A_294 = arith.constant 64 : i32
      %add3A_295 = arith.addi %mul3A_293, %add3A_294 : i32
      %get3A_296 = arith.index_cast %add3A_295 : i32 to index
      %get3A_297 = tpu.vector_load %arg5[%get3A_296] {strides = array<i32>} : memref<6272xi32, #tpu.memory_space<vmem>>, vector<16xi32>,
      %get3A_298 = vector.shape_cast %get3A_297 : vector<16xi32> to vector<16xi32>
      %get3A_299 = arith.index_cast %add3A_295 : i32 to index
      %get3A_300 = tpu.vector_load %arg6[%get3A_299] {strides = array<i32>} : memref<6272xi32, #tpu.memory_space<vmem>>, vector<16xi32>,
      %get3A_301 = vector.shape_cast %get3A_300 : vector<16xi32> to vector<16xi32>
      %get3A_302 = arith.index_cast %add3A_295 : i32 to index
      %get3A_303 = tpu.vector_load %arg7[%get3A_302] {strides = array<i32>} : memref<6272xi32, #tpu.memory_space<vmem>>, vector<16xi32>,
      %get3A_304 = vector.shape_cast %get3A_303 : vector<16xi32> to vector<16xi32>
      %mul3A_305 = arith.constant 16384 : i32
      %mul3A_306 = vector.broadcast %mul3A_305 : i32 to vector<16xi32>
      %mul3A_307 = arith.muli %get3A_298, %mul3A_306 : vector<16xi32>
      %mul3A_308 = arith.constant 128 : i32
      %mul3A_309 = vector.broadcast %mul3A_308 : i32 to vector<16xi32>
      %mul3A_310 = arith.muli %get3A_301, %mul3A_309 : vector<16xi32>
      %add3A_311 = arith.addi %mul3A_307, %mul3A_310 : vector<16xi32>
      %add3A_312 = arith.addi %add3A_311, %get3A_304 : vector<16xi32>
      %mul3A_313 = arith.constant 1048576 : i32
      %mul3A_314 = arith.muli %arg0, %mul3A_313 : i32
      %sub3A_315 = vector.broadcast %mul3A_314 : i32 to vector<16xi32>
      %sub3A_316 = arith.subi %add3A_312, %sub3A_315 : vector<16xi32>
      %ge3A_317 = arith.constant 0 : i32
      %ge3A_318 = vector.broadcast %ge3A_317 : i32 to vector<16xi32>
      %ge3A_319 = arith.cmpi sge, %sub3A_316, %ge3A_318 : vector<16xi32>
      %lt3A_320 = arith.constant 1048576 : i32
      %lt3A_321 = vector.broadcast %lt3A_320 : i32 to vector<16xi32>
      %lt3A_322 = arith.cmpi slt, %sub3A_316, %lt3A_321 : vector<16xi32>
      %and3A_323 = arith.andi %ge3A_319, %lt3A_322 : vector<16xi1>
      %add3A_324 = arith.constant 1048576 : i32
      %add3A_325 = vector.broadcast %add3A_324 : i32 to vector<16xi32>
      %add3A_326 = arith.addi %add3A_325, %iota3A : vector<16xi32>
      %select_n3A_327 = arith.select %and3A_323, %sub3A_316, %add3A_326 : vector<16xi1>, vector<16xi32>
      %add3A_328 = arith.constant 49 : i32
      %add3A_329 = arith.addi %add3A_328, %scan3A_124 : i32
      %swap3A_330 = arith.index_cast %add3A_329 : i32 to index
      %swap3A_331 = arith.constant 64 : index
      %swap3A_332 = tpu.vector_load %arg8[%swap3A_330, %swap3A_331] {strides = array<i32>} : memref<98x128xi32, #tpu.memory_space<vmem>>, vector<1x16xi32>,
      %swap3A_333 = vector.shape_cast %swap3A_332 : vector<1x16xi32> to vector<16xi32>
      %swap3A_334 = vector.shape_cast %select_n3A_327 : vector<16xi32> to vector<1x16xi32>
      tpu.vector_store %arg8[%swap3A_330, %swap3A_331], %swap3A_334 {strides = array<i32>} : memref<98x128xi32, #tpu.memory_space<vmem>>, vector<1x16xi32>,
      %mul3A_335 = arith.constant 128 : i32
      %mul3A_336 = arith.muli %scan3A_124, %mul3A_335 : i32
      %add3A_337 = arith.constant 80 : i32
      %add3A_338 = arith.addi %mul3A_336, %add3A_337 : i32
      %get3A_339 = arith.index_cast %add3A_338 : i32 to index
      %get3A_340 = tpu.vector_load %arg5[%get3A_339] {strides = array<i32>} : memref<6272xi32, #tpu.memory_space<vmem>>, vector<16xi32>,
      %get3A_341 = vector.shape_cast %get3A_340 : vector<16xi32> to vector<16xi32>
      %get3A_342 = arith.index_cast %add3A_338 : i32 to index
      %get3A_343 = tpu.vector_load %arg6[%get3A_342] {strides = array<i32>} : memref<6272xi32, #tpu.memory_space<vmem>>, vector<16xi32>,
      %get3A_344 = vector.shape_cast %get3A_343 : vector<16xi32> to vector<16xi32>
      %get3A_345 = arith.index_cast %add3A_338 : i32 to index
      %get3A_346 = tpu.vector_load %arg7[%get3A_345] {strides = array<i32>} : memref<6272xi32, #tpu.memory_space<vmem>>, vector<16xi32>,
      %get3A_347 = vector.shape_cast %get3A_346 : vector<16xi32> to vector<16xi32>
      %mul3A_348 = arith.constant 16384 : i32
      %mul3A_349 = vector.broadcast %mul3A_348 : i32 to vector<16xi32>
      %mul3A_350 = arith.muli %get3A_341, %mul3A_349 : vector<16xi32>
      %mul3A_351 = arith.constant 128 : i32
      %mul3A_352 = vector.broadcast %mul3A_351 : i32 to vector<16xi32>
      %mul3A_353 = arith.muli %get3A_344, %mul3A_352 : vector<16xi32>
      %add3A_354 = arith.addi %mul3A_350, %mul3A_353 : vector<16xi32>
      %add3A_355 = arith.addi %add3A_354, %get3A_347 : vector<16xi32>
      %mul3A_356 = arith.constant 1048576 : i32
      %mul3A_357 = arith.muli %arg0, %mul3A_356 : i32
      %sub3A_358 = vector.broadcast %mul3A_357 : i32 to vector<16xi32>
      %sub3A_359 = arith.subi %add3A_355, %sub3A_358 : vector<16xi32>
      %ge3A_360 = arith.constant 0 : i32
      %ge3A_361 = vector.broadcast %ge3A_360 : i32 to vector<16xi32>
      %ge3A_362 = arith.cmpi sge, %sub3A_359, %ge3A_361 : vector<16xi32>
      %lt3A_363 = arith.constant 1048576 : i32
      %lt3A_364 = vector.broadcast %lt3A_363 : i32 to vector<16xi32>
      %lt3A_365 = arith.cmpi slt, %sub3A_359, %lt3A_364 : vector<16xi32>
      %and3A_366 = arith.andi %ge3A_362, %lt3A_365 : vector<16xi1>
      %add3A_367 = arith.constant 1048576 : i32
      %add3A_368 = vector.broadcast %add3A_367 : i32 to vector<16xi32>
      %add3A_369 = arith.addi %add3A_368, %iota3A : vector<16xi32>
      %select_n3A_370 = arith.select %and3A_366, %sub3A_359, %add3A_369 : vector<16xi1>, vector<16xi32>
      %add3A_371 = arith.constant 49 : i32
      %add3A_372 = arith.addi %add3A_371, %scan3A_124 : i32
      %swap3A_373 = arith.index_cast %add3A_372 : i32 to index
      %swap3A_374 = arith.constant 80 : index
      %swap3A_375 = tpu.vector_load %arg8[%swap3A_373, %swap3A_374] {strides = array<i32>} : memref<98x128xi32, #tpu.memory_space<vmem>>, vector<1x16xi32>,
      %swap3A_376 = vector.shape_cast %swap3A_375 : vector<1x16xi32> to vector<16xi32>
      %swap3A_377 = vector.shape_cast %select_n3A_370 : vector<16xi32> to vector<1x16xi32>
      tpu.vector_store %arg8[%swap3A_373, %swap3A_374], %swap3A_377 {strides = array<i32>} : memref<98x128xi32, #tpu.memory_space<vmem>>, vector<1x16xi32>,
      %mul3A_378 = arith.constant 128 : i32
      %mul3A_379 = arith.muli %scan3A_124, %mul3A_378 : i32
      %add3A_380 = arith.constant 96 : i32
      %add3A_381 = arith.addi %mul3A_379, %add3A_380 : i32
      %get3A_382 = arith.index_cast %add3A_381 : i32 to index
      %get3A_383 = tpu.vector_load %arg5[%get3A_382] {strides = array<i32>} : memref<6272xi32, #tpu.memory_space<vmem>>, vector<16xi32>,
      %get3A_384 = vector.shape_cast %get3A_383 : vector<16xi32> to vector<16xi32>
      %get3A_385 = arith.index_cast %add3A_381 : i32 to index
      %get3A_386 = tpu.vector_load %arg6[%get3A_385] {strides = array<i32>} : memref<6272xi32, #tpu.memory_space<vmem>>, vector<16xi32>,
      %get3A_387 = vector.shape_cast %get3A_386 : vector<16xi32> to vector<16xi32>
      %get3A_388 = arith.index_cast %add3A_381 : i32 to index
      %get3A_389 = tpu.vector_load %arg7[%get3A_388] {strides = array<i32>} : memref<6272xi32, #tpu.memory_space<vmem>>, vector<16xi32>,
      %get3A_390 = vector.shape_cast %get3A_389 : vector<16xi32> to vector<16xi32>
      %mul3A_391 = arith.constant 16384 : i32
      %mul3A_392 = vector.broadcast %mul3A_391 : i32 to vector<16xi32>
      %mul3A_393 = arith.muli %get3A_384, %mul3A_392 : vector<16xi32>
      %mul3A_394 = arith.constant 128 : i32
      %mul3A_395 = vector.broadcast %mul3A_394 : i32 to vector<16xi32>
      %mul3A_396 = arith.muli %get3A_387, %mul3A_395 : vector<16xi32>
      %add3A_397 = arith.addi %mul3A_393, %mul3A_396 : vector<16xi32>
      %add3A_398 = arith.addi %add3A_397, %get3A_390 : vector<16xi32>
      %mul3A_399 = arith.constant 1048576 : i32
      %mul3A_400 = arith.muli %arg0, %mul3A_399 : i32
      %sub3A_401 = vector.broadcast %mul3A_400 : i32 to vector<16xi32>
      %sub3A_402 = arith.subi %add3A_398, %sub3A_401 : vector<16xi32>
      %ge3A_403 = arith.constant 0 : i32
      %ge3A_404 = vector.broadcast %ge3A_403 : i32 to vector<16xi32>
      %ge3A_405 = arith.cmpi sge, %sub3A_402, %ge3A_404 : vector<16xi32>
      %lt3A_406 = arith.constant 1048576 : i32
      %lt3A_407 = vector.broadcast %lt3A_406 : i32 to vector<16xi32>
      %lt3A_408 = arith.cmpi slt, %sub3A_402, %lt3A_407 : vector<16xi32>
      %and3A_409 = arith.andi %ge3A_405, %lt3A_408 : vector<16xi1>
      %add3A_410 = arith.constant 1048576 : i32
      %add3A_411 = vector.broadcast %add3A_410 : i32 to vector<16xi32>
      %add3A_412 = arith.addi %add3A_411, %iota3A : vector<16xi32>
      %select_n3A_413 = arith.select %and3A_409, %sub3A_402, %add3A_412 : vector<16xi1>, vector<16xi32>
      %add3A_414 = arith.constant 49 : i32
      %add3A_415 = arith.addi %add3A_414, %scan3A_124 : i32
      %swap3A_416 = arith.index_cast %add3A_415 : i32 to index
      %swap3A_417 = arith.constant 96 : index
      %swap3A_418 = tpu.vector_load %arg8[%swap3A_416, %swap3A_417] {strides = array<i32>} : memref<98x128xi32, #tpu.memory_space<vmem>>, vector<1x16xi32>,
      %swap3A_419 = vector.shape_cast %swap3A_418 : vector<1x16xi32> to vector<16xi32>
      %swap3A_420 = vector.shape_cast %select_n3A_413 : vector<16xi32> to vector<1x16xi32>
      tpu.vector_store %arg8[%swap3A_416, %swap3A_417], %swap3A_420 {strides = array<i32>} : memref<98x128xi32, #tpu.memory_space<vmem>>, vector<1x16xi32>,
      %mul3A_421 = arith.constant 128 : i32
      %mul3A_422 = arith.muli %scan3A_124, %mul3A_421 : i32
      %add3A_423 = arith.constant 112 : i32
      %add3A_424 = arith.addi %mul3A_422, %add3A_423 : i32
      %get3A_425 = arith.index_cast %add3A_424 : i32 to index
      %get3A_426 = tpu.vector_load %arg5[%get3A_425] {strides = array<i32>} : memref<6272xi32, #tpu.memory_space<vmem>>, vector<16xi32>,
      %get3A_427 = vector.shape_cast %get3A_426 : vector<16xi32> to vector<16xi32>
      %get3A_428 = arith.index_cast %add3A_424 : i32 to index
      %get3A_429 = tpu.vector_load %arg6[%get3A_428] {strides = array<i32>} : memref<6272xi32, #tpu.memory_space<vmem>>, vector<16xi32>,
      %get3A_430 = vector.shape_cast %get3A_429 : vector<16xi32> to vector<16xi32>
      %get3A_431 = arith.index_cast %add3A_424 : i32 to index
      %get3A_432 = tpu.vector_load %arg7[%get3A_431] {strides = array<i32>} : memref<6272xi32, #tpu.memory_space<vmem>>, vector<16xi32>,
      %get3A_433 = vector.shape_cast %get3A_432 : vector<16xi32> to vector<16xi32>
      %mul3A_434 = arith.constant 16384 : i32
      %mul3A_435 = vector.broadcast %mul3A_434 : i32 to vector<16xi32>
      %mul3A_436 = arith.muli %get3A_427, %mul3A_435 : vector<16xi32>
      %mul3A_437 = arith.constant 128 : i32
      %mul3A_438 = vector.broadcast %mul3A_437 : i32 to vector<16xi32>
      %mul3A_439 = arith.muli %get3A_430, %mul3A_438 : vector<16xi32>
      %add3A_440 = arith.addi %mul3A_436, %mul3A_439 : vector<16xi32>
      %add3A_441 = arith.addi %add3A_440, %get3A_433 : vector<16xi32>
      %mul3A_442 = arith.constant 1048576 : i32
      %mul3A_443 = arith.muli %arg0, %mul3A_442 : i32
      %sub3A_444 = vector.broadcast %mul3A_443 : i32 to vector<16xi32>
      %sub3A_445 = arith.subi %add3A_441, %sub3A_444 : vector<16xi32>
      %ge3A_446 = arith.constant 0 : i32
      %ge3A_447 = vector.broadcast %ge3A_446 : i32 to vector<16xi32>
      %ge3A_448 = arith.cmpi sge, %sub3A_445, %ge3A_447 : vector<16xi32>
      %lt3A_449 = arith.constant 1048576 : i32
      %lt3A_450 = vector.broadcast %lt3A_449 : i32 to vector<16xi32>
      %lt3A_451 = arith.cmpi slt, %sub3A_445, %lt3A_450 : vector<16xi32>
      %and3A_452 = arith.andi %ge3A_448, %lt3A_451 : vector<16xi1>
      %add3A_453 = arith.constant 1048576 : i32
      %add3A_454 = vector.broadcast %add3A_453 : i32 to vector<16xi32>
      %add3A_455 = arith.addi %add3A_454, %iota3A : vector<16xi32>
      %select_n3A_456 = arith.select %and3A_452, %sub3A_445, %add3A_455 : vector<16xi1>, vector<16xi32>
      %add3A_457 = arith.constant 49 : i32
      %add3A_458 = arith.addi %add3A_457, %scan3A_124 : i32
      %swap3A_459 = arith.index_cast %add3A_458 : i32 to index
      %swap3A_460 = arith.constant 112 : index
      %swap3A_461 = tpu.vector_load %arg8[%swap3A_459, %swap3A_460] {strides = array<i32>} : memref<98x128xi32, #tpu.memory_space<vmem>>, vector<1x16xi32>,
      %swap3A_462 = vector.shape_cast %swap3A_461 : vector<1x16xi32> to vector<16xi32>
      %swap3A_463 = vector.shape_cast %select_n3A_456 : vector<16xi32> to vector<1x16xi32>
      tpu.vector_store %arg8[%swap3A_459, %swap3A_460], %swap3A_463 {strides = array<i32>} : memref<98x128xi32, #tpu.memory_space<vmem>>, vector<1x16xi32>,
    }
    %scan3A_113 = arith.constant 49 : i32
    %scan3A_114 = arith.constant 0 : i32
    %scan3A_115 = arith.constant 0 : i32
    %scan3A_116 = arith.constant 98 : i32
    %scan3A_117 = arith.addi %scan3A_115, %scan3A_116 : i32
    %scan3A_118 = arith.constant 1 : i32
    scf.for %scan3A_124 = %scan3A_115 to %scan3A_117 step %scan3A_118  : i32 {
      "tpu.region"() ({
        %run_scoped3A = tpu.sem_alloc : memref<!tpu.dma_semaphore, #tpu.memory_space<semaphore_mem>>
        %dma_start3A = arith.constant 0 : i32
        %dma_start3A_125 = tpu.memref_slice %arg8[%scan3A_124, %dma_start3A] : memref<98x128xi32, #tpu.memory_space<vmem>> -> memref<1x128xi32, #tpu.memory_space<vmem>>
        %dma_start3A_126 = tpu.memref_squeeze %dma_start3A_125 : memref<1x128xi32, #tpu.memory_space<vmem>> -> memref<128xi32, #tpu.memory_space<vmem>>
        %dma_start3A_127 = arith.constant 0 : i32
        %dma_start3A_128 = tpu.memref_slice %arg4[%dma_start3A_127] : memref<1048592xf32, #tpu.memory_space<vmem_shared>> -> memref<1048592xf32, #tpu.memory_space<vmem_shared>>
        tpu.enqueue_indirect_dma source(%arg9 : memref<128xf32, #tpu.memory_space<vmem>>) target(%dma_start3A_128 : memref<1048592xf32, #tpu.memory_space<vmem_shared>>) offsets(%dma_start3A_126 : memref<128xi32, #tpu.memory_space<vmem>>) semaphore(%run_scoped3A : memref<!tpu.dma_semaphore, #tpu.memory_space<semaphore_mem>>) {add = true}
        %dma_wait3A = arith.constant 0 : i32
        %dma_wait3A_129 = tpu.memref_slice %arg8[%scan3A_124, %dma_wait3A] : memref<98x128xi32, #tpu.memory_space<vmem>> -> memref<1x128xi32, #tpu.memory_space<vmem>>
        %dma_wait3A_130 = tpu.memref_squeeze %dma_wait3A_129 : memref<1x128xi32, #tpu.memory_space<vmem>> -> memref<128xi32, #tpu.memory_space<vmem>>
        %dma_wait3A_131 = arith.constant 0 : i32
        %dma_wait3A_132 = tpu.memref_slice %arg4[%dma_wait3A_131] : memref<1048592xf32, #tpu.memory_space<vmem_shared>> -> memref<1048592xf32, #tpu.memory_space<vmem_shared>>
        tpu.wait_indirect_dma semaphore(%run_scoped3A : memref<!tpu.dma_semaphore, #tpu.memory_space<semaphore_mem>>) src(%arg9 : memref<128xf32, #tpu.memory_space<vmem>>) dst(%dma_wait3A_132 : memref<1048592xf32, #tpu.memory_space<vmem_shared>>)
        tpu.yield
      }) : () -> ()
    }
    %scan3A_119 = arith.constant 98 : i32
    %barrier3A_120 = arith.constant 0 : index
    tpu.barrier barrier_id(%barrier3A_120)
    %mul3A_121 = arith.constant 1048576 : i32
    %mul3A_122 = arith.muli %arg0, %mul3A_121 : i32
    %add3A_123 = arith.addi %mul3A_122, %mul3A_51 : i32
    "tpu.region"() ({
      %run_scoped3A = tpu.sem_alloc : memref<!tpu.dma_semaphore, #tpu.memory_space<semaphore_mem>>
      %dma_start3A = tpu.memref_slice %arg3[%add3A_123] : memref<2097152xf32, #tpu.memory_space<hbm>> -> memref<65536xf32, #tpu.memory_space<hbm>>
      %dma_start3A_124 = tpu.memref_slice %arg4[%mul3A_51] : memref<1048592xf32, #tpu.memory_space<vmem_shared>> -> memref<65536xf32, #tpu.memory_space<vmem_shared>>
      tpu.enqueue_dma source(%dma_start3A_124 : memref<65536xf32, #tpu.memory_space<vmem_shared>>) target(%dma_start3A : memref<65536xf32, #tpu.memory_space<hbm>>) target_semaphore(%run_scoped3A : memref<!tpu.dma_semaphore, #tpu.memory_space<semaphore_mem>>)
      %dma_wait3A = tpu.memref_slice %arg3[%add3A_123] : memref<2097152xf32, #tpu.memory_space<hbm>> -> memref<65536xf32, #tpu.memory_space<hbm>>
      %dma_wait3A_125 = tpu.memref_slice %arg4[%mul3A_51] : memref<1048592xf32, #tpu.memory_space<vmem_shared>> -> memref<65536xf32, #tpu.memory_space<vmem_shared>>
      tpu.wait_dma2 semaphore(%run_scoped3A : memref<!tpu.dma_semaphore, #tpu.memory_space<semaphore_mem>>) src(%dma_wait3A_125 : memref<65536xf32, #tpu.memory_space<vmem_shared>>) dst(%dma_wait3A : memref<65536xf32, #tpu.memory_space<hbm>>)
      tpu.yield
    }) : () -> ()
    return
  }
}

module attributes {stable_mosaic.version = 14 : i64} {
  func.func @_tc_body(%arg0: i32, %arg1: memref<256x128xf32, #tpu.memory_space<vmem>>, %arg2: memref<1x1x32xf32, #tpu.memory_space<vmem>>, %arg3: memref<256x128x32xf32, #tpu.memory_space<vmem>>) attributes {dimension_semantics = [#tpu.dimension_semantics<arbitrary>], iteration_bounds = array<i64: 64>, scalar_prefetch = 0 : i64, scratch_operands = 0 : i64, tpu.core_type = #tpu.core_type<tc>, window_params = [{transform_indices = @transform_0, window_bounds = array<i64: 256, 128>}, {pipeline_mode = #tpu.pipeline_mode<synchronous>, transform_indices = @transform_1, window_bounds = array<i64: 1, 1, 32>}, {transform_indices = @transform_2, window_bounds = array<i64: 256, 128, 32>}]} {
    %get3A = arith.constant 0 : index
    %get3A_0 = arith.constant 0 : index
    %get3A_1 = vector.load %arg1[%get3A, %get3A_0] : memref<256x128xf32, #tpu.memory_space<vmem>>, vector<256x128xf32>
    %get3A_2 = arith.constant 0 : index
    %get3A_3 = arith.constant 0 : index
    %get3A_4 = arith.constant 0 : index
    %get3A_5 = vector.load %arg2[%get3A_2, %get3A_3, %get3A_4] : memref<1x1x32xf32, #tpu.memory_space<vmem>>, vector<1x1x32xf32>
    %broadcast_in_dim3A = vector.shape_cast %get3A_1 : vector<256x128xf32> to vector<256x128x1xf32>
    %ne3A = arith.constant 0.000000e+00 : f32
    %ne3A_6 = vector.broadcast %ne3A : f32 to vector<256x128x1xf32>
    %ne3A_7 = arith.cmpf one, %broadcast_in_dim3A, %ne3A_6 : vector<256x128x1xf32>
    %jit3A = arith.constant 0.000000e+00 : f32
    %broadcast_in_dim3A_8 = vector.shape_cast %ne3A_7 : vector<256x128x1xi1> to vector<256x128x1xi1>
    %broadcast_in_dim3A_9 = vector.broadcast %broadcast_in_dim3A_8 : vector<256x128x1xi1> to vector<256x128x32xi1>
    %broadcast_in_dim3A_10 = vector.shape_cast %get3A_5 : vector<1x1x32xf32> to vector<1x1x32xf32>
    %broadcast_in_dim3A_11 = vector.broadcast %broadcast_in_dim3A_10 : vector<1x1x32xf32> to vector<256x128x32xf32>
    %broadcast_in_dim3A_12 = vector.broadcast %jit3A : f32 to vector<256x128x32xf32>
    %select_n3A = arith.select %broadcast_in_dim3A_9, %broadcast_in_dim3A_11, %broadcast_in_dim3A_12 : vector<256x128x32xi1>, vector<256x128x32xf32>
    %swap3A = arith.constant 0 : index
    %swap3A_13 = arith.constant 0 : index
    %swap3A_14 = arith.constant 0 : index
    %swap3A_15 = vector.load %arg3[%swap3A, %swap3A_13, %swap3A_14] : memref<256x128x32xf32, #tpu.memory_space<vmem>>, vector<256x128x32xf32>
    tpu.vector_store %arg3[%swap3A, %swap3A_13, %swap3A_14], %select_n3A {strides = array<i32>} : memref<256x128x32xf32, #tpu.memory_space<vmem>>, vector<256x128x32xf32>,
    return
  }
  func.func @transform_0(%arg0: i32) -> (i32, i32) {
    %c0_i32 = arith.constant 0 : i32
    %c0_i32_0 = arith.constant 0 : i32
    return %arg0, %c0_i32 : i32, i32
  }
  func.func @transform_1(%arg0: i32) -> (i32, i32, i32) {
    %c0_i32 = arith.constant 0 : i32
    %c0_i32_0 = arith.constant 0 : i32
    %c0_i32_1 = arith.constant 0 : i32
    %c0_i32_2 = arith.constant 0 : i32
    return %c0_i32, %c0_i32_0, %c0_i32_1 : i32, i32, i32
  }
  func.func @transform_2(%arg0: i32) -> (i32, i32, i32) {
    %c0_i32 = arith.constant 0 : i32
    %c0_i32_0 = arith.constant 0 : i32
    %c0_i32_1 = arith.constant 0 : i32
    return %arg0, %c0_i32, %c0_i32_0 : i32, i32, i32
  }
}

</mosaic_0001>

<sc_bundles>
// kernel: kernel.4.cloned.1.call-start
scs
__scs_entry_jumppad:
0x0: {  	(pc) =	sbr.rel $0x88, $3  }
0x1: {  	(tag) =	ssettag $0x0;
	lr =	simm.s32 $0x1  }
0x2: {  	[smem:$0x3F9F] =	sst lr;
	_ =	strace $0xD0000000  }
0x3: {  	_ = 	snop  }
0x4: {  	_ = 	snop  }
0x5: {  	_ = 	snop  }
0x6: {  	_ = 	snop  }
0x7: {  	_ = 	snop  }
__scs_overlays_trampoline_lowered:
0x8: {  	[smem:$0x3FAE] =	sst s0  }
0x9: {  	[smem:$0x3FAF] =	sst s1  }
0xa: {  	[smem:$0x3FB0] =	sst s2  }
0xb: {  	[smem:$0x3FB1] =	sst s3  }
0xc: {  	[smem:$0x3FB2] =	sst s4  }
0xd: {  	[smem:$0x3FB3] =	sst s5  }
0xe: {  	[smem:$0x3FB4] =	sst s6  }
0xf: {  	[smem:$0x3FB5] =	sst s7  }
0x10: {  	[smem:$0x3FB6] =	sst s8  }
0x11: {  	[smem:$0x3FB7] =	sst s9;
	s0 =	simm.s32 @!p0 $0x0  }
0x12: {  	s1 =	sld [smem:$0x3F9D];
	s0 =	simm.s32 @p0 $0x1  }
0x13: {  	[smem:$0x3FB8] =	sst s0;
	s0 =	simm.s32 @!p1 $0x0  }
0x14: {  	s2 =	sld [smem:$0x3F9C];
	s0 =	simm.s32 @p1 $0x1  }
0x15: {  	[smem:$0x3FB9] =	sst s0;
	s0 =	simm.s32 @!p2 $0x0  }
0x16: {  	s3 =	sld [smem:$0x3FDB];
	s0 =	simm.s32 @p2 $0x1  }
0x17: {  	s4 =	simm.s32 $0x1BF5;
	[smem:$0x3FBB] =	sst s0  }
0x18: {  	s0 =	sld [smem:$0x3F9E];
	_ =	swait.ge [sflag:s4], $0x0  }
0x19: {  	s7 =	sld [smem:$0x3F9F]  }
0x1a: {  	s8 =	sadd.s32 $0xFFFFE003, lr  }
0x1b: {  	s9 =	sadd.s32 $0xFFFFFEF7, lr;
	s5 =	simm.s32 $0xFFFFFFFF;
	p2 =	slt.u32 s8, $0xFFFFF086  }
0x1c: {  	p1 =	slt.u32 s9, $0xF7A;
	s5 =	simm.s32 @!p2 $0x0  }
0x1d: {  	s5 =	simm.s32 @p1 $0x1;
	p0 =	seq.s32 s7, s2  }
0x1e: {  	s7 =	smul.u32 @!p0 $0xF7A, s2;
	p2 =	seq.s32 @!p0 s5, $0x0  }
0x1f: {  	s9 =	smul.u32 $0xF7A, s1;
	s8 =	simm.s32 @!p0 $0x1BF5;
	p2 =	por !p2, p0  }
0x20: {  	[sflag:s8] =	ssyncset.s32 @!p0 $0xFFFFF086;
	s6 =	sadd.s32 @!p0 s3, s7;
	s7 =	simm.s32 @!p0 $0x108  }
0x21: {  	s3 =	sadd.s32 s3, s9;
	s6 =	sadd.s32 @!p0 $0x88, s6;
	s7 =	simm.s32 @p2 $0x1082  }
0x22: {  	[simem:s7], [sflag:s8] =	dma.local @!p0 [hbm:s6], $0xF7A  }
0x23: {  	s9 =	sor.u32 $0xD0000000, s2;
	s6 =	simm.s32 $0x108;
	_ =	swait.ge @!p0 [sflag:s8], $0x0  }
0x24: {  	s3 =	sadd.s32 $0x88, s3;
	s6 =	simm.s32 @!p1 $0x1082;
	[sflag:s4] =	ssyncset.s32 $0xFFFFF086  }
0x25: {  	[simem:s6], [sflag:s4] =	dma.local [hbm:s3], $0xF7A  }
0x26: {  	[smem:$0x3F9F] =	sst s1;
	(tag) =	ssettag s2;
	_ =	strace s9  }
0x27: {  	s1 =	sld [smem:$0x3FAF]  }
0x28: {  	s2 =	sld [smem:$0x3FB0]  }
0x29: {  	s4 =	sld [smem:$0x3FB2]  }
0x2a: {  	p0 =	seq.s32 s5, $0x0;
	s5 =	sld [smem:$0x3FB3]  }
0x2b: {  	s6 =	sld [smem:$0x3FB4]  }
0x2c: {  	s7 =	sld [smem:$0x3FB5]  }
0x2d: {  	s3 =	simm.s32 $0x108;
	s8 =	sld [smem:$0x3FB6]  }
0x2e: {  	s3 =	simm.s32 @!p0 $0x1082;
	s9 =	sld [smem:$0x3FB7]  }
0x2f: {  	lr =	sadd.s32 s0, s3;
	s0 =	sld [smem:$0x3FAE]  }
0x30: {  	s3 =	sld [smem:$0x3FB1]  }
0x31: {  	[smem:$0x3FBA] =	sst s10  }
0x32: {  	s10 =	sld [smem:$0x3FB8];
	_ =	sdelay $0x3  }
0x33: {  	p0 =	seq.s32 s10, $0x1;
	s10 =	sld [smem:$0x3FBA];
	_ =	sdelay $0x3  }
0x34: {  	[smem:$0x3FBA] =	sst s10  }
0x35: {  	s10 =	sld [smem:$0x3FB9];
	_ =	sdelay $0x3  }
0x36: {  	p1 =	seq.s32 s10, $0x1;
	s10 =	sld [smem:$0x3FBA];
	_ =	sdelay $0x3  }
0x37: {  	[smem:$0x3FBA] =	sst s10  }
0x38: {  	s10 =	sld [smem:$0x3FBB]  }
0x39: {  	_ = 	snop;
	(pc) =	sbr.ind lr, $3  }
0x3a: {  	_ = 	snop  }
0x3b: {  	_ = 	snop  }
0x3c: {  	p2 =	seq.s32 s10, $0x1;
	s10 =	sld [smem:$0x3FBA]  }
0x3d: {  	_ =	shalt  }
0x3e: {  	_ =	shalt  }
0x3f: {  	_ =	shalt  }
0x40: {  	_ =	shalt  }
0x41: {  	_ =	shalt  }
0x42: {  	_ =	shalt  }
0x43: {  	_ =	shalt  }
0x44: {  	_ =	shalt  }
0x45: {  	_ =	shalt  }
0x46: {  	_ =	shalt  }
0x47: {  	_ =	shalt  }
0x48: {  	_ =	shalt  }
0x49: {  	_ =	shalt  }
0x4a: {  	_ =	shalt  }
0x4b: {  	_ =	shalt  }
0x4c: {  	_ =	shalt  }
0x4d: {  	_ =	shalt  }
0x4e: {  	_ =	shalt  }
0x4f: {  	_ =	shalt  }
0x50: {  	_ =	shalt  }
0x51: {  	_ =	shalt  }
0x52: {  	_ =	shalt  }
0x53: {  	_ =	shalt  }
0x54: {  	_ =	shalt  }
0x55: {  	_ =	shalt  }
0x56: {  	_ =	shalt  }
0x57: {  	_ =	shalt  }
0x58: {  	_ =	shalt  }
0x59: {  	_ =	shalt  }
0x5a: {  	_ =	shalt  }
0x5b: {  	_ =	shalt  }
0x5c: {  	_ =	shalt  }
0x5d: {  	_ =	shalt  }
0x5e: {  	_ =	shalt  }
0x5f: {  	_ =	shalt  }
0x60: {  	_ =	shalt  }
0x61: {  	_ =	shalt  }
0x62: {  	_ =	shalt  }
0x63: {  	_ =	shalt  }
0x64: {  	_ =	shalt  }
0x65: {  	_ =	shalt  }
0x66: {  	_ =	shalt  }
0x67: {  	_ =	shalt  }
0x68: {  	_ =	shalt  }
0x69: {  	_ =	shalt  }
0x6a: {  	_ =	shalt  }
0x6b: {  	_ =	shalt  }
0x6c: {  	_ =	shalt  }
0x6d: {  	_ =	shalt  }
0x6e: {  	_ =	shalt  }
0x6f: {  	_ =	shalt  }
0x70: {  	_ =	shalt  }
0x71: {  	_ =	shalt  }
0x72: {  	_ =	shalt  }
0x73: {  	_ =	shalt  }
0x74: {  	_ =	shalt  }
0x75: {  	_ =	shalt  }
0x76: {  	_ =	shalt  }
0x77: {  	_ =	shalt  }
0x78: {  	_ =	shalt  }
0x79: {  	_ =	shalt  }
0x7a: {  	_ =	shalt  }
0x7b: {  	_ =	shalt  }
0x7c: {  	_ =	shalt  }
0x7d: {  	_ =	shalt  }
0x7e: {  	_ =	shalt  }
0x7f: {  	_ =	shalt  }
0x80: {  	_ =	shalt  }
0x81: {  	_ =	shalt  }
0x82: {  	_ =	shalt  }
0x83: {  	_ =	shalt  }
0x84: {  	_ =	shalt  }
0x85: {  	_ =	shalt  }
0x86: {  	_ =	shalt  }
0x87: {  	_ =	shalt  }
.Lfunc_end0:
.L_simem_size_0:
called_computation.1_lowered:
.L_overlay_start_0:
0x88: {  	s2 =	sld [smem:$0x3FD9]  }
0x89: {  	s3 =	sld [smem:$0x3FFE];
	_ =	sdelay $0x1  }
0x8a: {  	s1 =	srdreg.scid  }
0x8b: {  	s0 =	sand.u32 $0x1, s1  }
0x8c: {  	s17 =	sshll.u32 s0, $0xA;
	s2 =	sadd.s32 s3, s2  }
0x8d: {  	s2 =	sadd.s32 s2, s17  }
0x8e: {  	[smem:$0x3FC6] =	sst s2  }
0x8f: {  	_ = 	snop  }
0x90: {  	s2 =	sld [smem:$0x3FD0];
	(tm) =	ssettm $0x1  }
0x91: {  	s18 =	sld [smem:$0x3FFB];
	_ =	sdelay $0x3  }
0x92: {  	_ =	strace s18  }
0x93: {  	s3 =	sld [smem:$0x3FFC];
	_ =	sdelay $0x3  }
0x94: {  	_ =	strace s3  }
0x95: {  	s3 =	sld [smem:$0x3FFD];
	_ =	sdelay $0x3  }
0x96: {  	_ =	strace s3  }
0x97: {  	_ =	strace $0x8FFFFFFF  }
0x98: {  	s19 =	sld [smem:$0x3FDB];
	_ =	sdelay $0x1  }
0x99: {  	s4 =	simm.s32 $_scs_section_size  }
0x9a: {  	s5 =	simm.s32 $_size__tile_overlayer_lowered;
	s6 =	simm.s32 $_tile_overlayer_lowered  }
0x9b: {  	s22 =	simm.s32 $0x1BFF;
	s21 =	sshll.u32 s6, $0x1;
	s3 =	sadd.s32 s4, s19  }
0x9c: {  	s7 =	simm.s32 $0x0;
	s20 =	sshll.u32 s5, $0x1;
	s5 =	sadd.s32 s21, s3  }
0x9d: {  	[timem:s7], [sflag:s22] =	dma.local [hbm:s5], s20  }
0x9e: {  	_ =	swait.ge [sflag:s22], s20  }
0x9f: {  	s4 =	ssub.s32 $0x0, s20;
	[sflag:s22] =	ssyncset.done $0x0  }
0xa0: {  	[sflag:s22] =	ssyncadd.s32 s4;
	_ =	sdelay $0x1  }
0xa1: {  	s23 =	simm.s32 $0x1B8B  }
0xa2: {  	_ =	swait.ge [sflag:s23], $0x1  }
0xa3: {  	[sflag:s23] =	ssyncset.done $0x0  }
0xa4: {  	s25 =	simm.s32 $0x1B8E;
	s24 =	sld [smem:$0x3FFE];
	[sflag:s23] =	ssyncadd.s32 $0xFFFFFFFF  }
0xa5: {  	s26 =	simm.s32 $execute0_lowered;
	[smem:$0x3FD2] =	sst s25  }
0xa6: {  	s5 =	sshll.u32 s26, $0x1;
	_ =	strace $0x80000046;
	[dreg:$0x1] =	wrdreg $0xFFFFFFFF  }
0xa7: {  	s28 =	simm.s32 $_size_execute0_lowered;
	s3 =	sadd.s32 s3, s5;
	[dreg:$0x0] =	wrdreg $0x0  }
0xa8: {  	s5 =	sshll.u32 s28, $0x1;
	[dreg:$0x2] =	wrdreg s3  }
0xa9: {  	[dreg:$0x3] =	wrdreg s5  }
0xaa: {  	[dreg:$0x4] =	wrdreg $0xC0  }
0xab: {  	_ =	task [dreg:s7], $0x5FFFF  }
0xac: {  	[dreg:$0x1] =	wrdreg $0xFFFFFFFF  }
0xad: {  	[dreg:$0x0] =	wrdreg $0x60  }
0xae: {  	[dreg:$0x2] =	wrdreg s24  }
0xaf: {  	[dreg:$0x3] =	wrdreg s2  }
0xb0: {  	[dreg:$0x4] =	wrdreg $0x0  }
0xb1: {  	[dreg:$0x5] =	wrdreg $0x9  }
0xb2: {  	_ =	task.clear_ibuf [dreg:s7], $0x6FFFF;
	_ =	strace $0x90000046  }
0xb3: {  	s29 =	simm.s32 $0x9;
	_ =	strace $0x80000048  }
0xb4: {  	_ =	swait.ge [sflag:s29], $0x1  }
0xb5: {  	[sflag:s29] =	ssyncadd.s32 $0xFFFFFFFF  }
0xb6: {  	_ =	strace $0x90000048  }
0xb7: {  	_ =	sfence  }
0xb8: {  	s30 =	sld [smem:$0x0];
	_ =	sdelay $0x2  }
0xb9: {  	s31 =	sshll.u32 s1, $0xD;
	s1 =	sshrl.u32 s1, $0x2  }
0xba: {  	s3 =	sand.u32 $0x4000, s31;
	s1 =	sadd.s32 s1, s30  }
0xbb: {  	s0 =	sor.u32 s3, s0;
	s1 =	sshll.u32 s1, $0x11  }
0xbc: {  	s0 =	sor.u32 s1, s0  }
0xbd: {  	s0 =	sadd.s32 $0x8F2B, s0  }
0xbe: {  	[sflag:s0] =	ssyncadd.remote.s32 $0x1  }
0xbf: {  	_ =	sfence.sel $0xFFFF  }
0xc0: {  	[dreg:$0x0] =	wrdreg $0xFFFFFFFF;
	(pc) =	sbr.abs _section_cstart, $3  }
0xc1: {  	[dreg:$0x1] =	wrdreg $0xFFFFFFFF  }
0xc2: {  	_ =	task.clear_ibuf [dreg:s7], $0x2FFFF;
	_ =	strace $0x9FFFFFFF  }
0xc3: {  	(tm) =	ssettm $0x7FFFFFFF  }
tec
execute0_lowered:
.L_overlay_start_1:
0x0: {  	(tag) =	ssettag $0x1  }
0x1: {  	s0 =	rddreg [dreg:$0x0]  }
0x2: {  	s2 =	rddreg [dreg:$0x1]  }
0x3: {  	s1 =	rddreg [dreg:$0x2];
	s3 =	simm.s32 $0x0;
	s4 =	srdreg.scid  }
0x4: {  	s9 =	stileid.u32;
	s29 =	simm.s32 $0x17E08;
	s30 =	simm.s32 $0x1  }
0x5: {  	s31 =	simm.s32 $0x10008;
	[smem:$0x7FF] =	sst s3;
	s5 =	sand.u32 $0x1, s4  }
0x6: {  	s7 =	sshll.u32 s9, $0x10;
	s0 =	sadd.s32 $0xC00, s0;
	s15 =	sadd.s32 $0x1, s9  }
0x7: {  	s9 =	smul.u32 $0x3100, s9;
	_ =	strace $0x80000047;
	s6 =	ssub.s32 $0x2, s5  }
0x8: {  	s4 =	sadd.s32 s7, s1;
	s5 =	sshll.u32 s5, $0x14;
	s8 =	sshrl.u32 s6, $0x1  }
0x9: {  	s14 =	sadd.s32 $0x1000, s4;
	s10 =	sadd.s32 $0x2000, s4;
	s16 =	sadd.s32 $0x3000, s4  }
0xa: {  	s17 =	sadd.s32 $0x4000, s4;
	s18 =	sadd.s32 $0x5000, s4;
	[dreg:$0x4] =	wrdreg s14  }
0xb: {  	s19 =	sadd.s32 $0x6000, s4;
	s11 =	sadd.s32 $0x7000, s4;
	[dreg:$0x5] =	wrdreg s10  }
0xc: {  	s12 =	sadd.s32 $0x8000, s4;
	s13 =	sadd.s32 $0x9000, s4;
	[dreg:$0x6] =	wrdreg s16  }
0xd: {  	s6 =	ssub.s32 s6, s8;
	s8 =	sshrl.u32 s15, $0x4;
	[dreg:$0x7] =	wrdreg s17  }
0xe: {  	s7 =	sor.u32 s7, s5;
	[dreg:$0x8] =	wrdreg s18;
	s8 =	smul.u32 $0xFFFFFD40, s8  }
0xf: {  	s28 =	sadd.s32 $0xF000, s4;
	[dreg:$0x9] =	wrdreg s19;
	s14 =	sadd.s32 $0xA000, s4  }
0x10: {  	s10 =	ssub.s32 $0x0, s5;
	s5 =	simm.s32 $0x80;
	s8 =	sadd.s32 s9, s8  }
0x11: {  	s9 =	sshrl.u32 s8, $0x3;
	s20 =	sadd.s32 $0x30D40, s8;
	s22 =	sadd.s32 $0x61A80, s8  }
0x12: {  	s24 =	sadd.s32 $0x1880, s8;
	s26 =	sadd.s32 $0x325C0, s8;
	s8 =	sadd.s32 $0x63300, s8  }
0x13: {  	s15 =	sadd.s32 s0, s9;
	s21 =	sshrl.u32 s20, $0x3;
	s23 =	sshrl.u32 s22, $0x3  }
0x14: {  	s25 =	sshrl.u32 s24, $0x3;
	s9 =	sshrl.u32 s26, $0x3;
	s8 =	sshrl.u32 s8, $0x3  }
0x15: {  	s24 =	smax.u32 s6, $0x1;
	s26 =	sadd.s32 $0xE000, s4;
	s6 =	simm.s32 $0x17D88  }
0x16: {  	s16 =	sadd.s32 s0, s21;
	s17 =	sadd.s32 s0, s23;
	s18 =	sadd.s32 s0, s25  }
0x17: {  	s19 =	sadd.s32 s0, s9;
	s20 =	sadd.s32 s0, s8;
	s9 =	sshrl.u32 s7, $0x3  }
0x18: {  	v3 =	vlaneseq.u32;
	v1 =	vimm.f32 $0.0e+00;
	s21 =	sadd.s32 $0xB000, s4;
	s23 =	sadd.s32 $0xC000, s4;
	s25 =	sadd.s32 $0xD000, s4  }
0x19: {  	v2 =	vimm.f32 $1.000000000e+00;
	v3 =	vor.u32 $0x100000, v3;
	v0 =	vmov s10;
	s0 =	simm.s32 $0x11888;
	s22 =	sadd.s32 s2, s9;
	s2 =	simm.s32 $0x13108  }
.LBB2_1:
0x1a: {  	s7 =	simm.s32 $0x40;
	s8 =	simm.s32 $0x0  }
.LBB2_2:
0x1b: {  	p0 =	sne.s32 s7, $0x3FC0;
	[tilespmem:s8+$0x17E08] =	vst v1;
	s8 =	smov.u32 s7;
	s7 =	sadd.s32 $0x40, s7  }
.Ltmp0:
0x1c: {  	(pc) =	sbr.rel @p0 .LBB2_2-.Ltmp0, $2  }
0x1d: {  	_ =	sdelay $0x2  }
0x1e: {  	s8 =	sshra.s32 s8, $0x2  }
0x1f: {  	[tilespmem:s8+$0x17E08] =	vst v1  }
0x20: {  	[tilespmem:$0x17D88] =	vst v2  }
0x21: {  	[tilespmem:$0x17D98] =	vst v2  }
0x22: {  	[tilespmem:$0x17DA8] =	vst v2  }
0x23: {  	[tilespmem:$0x17DB8] =	vst v2  }
0x24: {  	[tilespmem:$0x17DC8] =	vst v2  }
0x25: {  	[tilespmem:$0x17DD8] =	vst v2  }
0x26: {  	[tilespmem:$0x17DE8] =	vst v2  }
0x27: {  	[tilespmem:$0x17DF8] =	vst v2  }
0x28: {  	[spmem:s4] =	stream.linear.scatter [tilespmem:s29], [sflag:$0x1], $0x1000, $0x38;
	[tilespmem:$0x18E08] =	vst v63  }
0x29: {  	_ =	swait.ge [sflag:s30], $0x1000  }
0x2a: {  	[sflag:s30] =	ssyncset.done $0x0  }
0x2b: {  	s7 =	rddreg [dreg:$0x4];
	[sflag:s30] =	ssyncadd.s32 $0xFFFFF000  }
0x2c: {  	[spmem:s7] =	stream.linear.scatter [tilespmem:s29], [sflag:$0x1], $0x1000, $0x38;
	[tilespmem:$0x18E08] =	vst v63  }
0x2d: {  	_ =	swait.ge [sflag:s30], $0x1000  }
0x2e: {  	[sflag:s30] =	ssyncset.done $0x0  }
0x2f: {  	s8 =	rddreg [dreg:$0x5];
	[sflag:s30] =	ssyncadd.s32 $0xFFFFF000  }
0x30: {  	[spmem:s8] =	stream.linear.scatter [tilespmem:s29], [sflag:$0x1], $0x1000, $0x38;
	[tilespmem:$0x18E08] =	vst v63  }
0x31: {  	_ =	swait.ge [sflag:s30], $0x1000  }
0x32: {  	[sflag:s30] =	ssyncset.done $0x0  }
0x33: {  	s9 =	rddreg [dreg:$0x6];
	[sflag:s30] =	ssyncadd.s32 $0xFFFFF000  }
0x34: {  	[spmem:s9] =	stream.linear.scatter [tilespmem:s29], [sflag:$0x1], $0x1000, $0x38;
	[tilespmem:$0x18E08] =	vst v63  }
0x35: {  	_ =	swait.ge [sflag:s30], $0x1000  }
0x36: {  	[sflag:s30] =	ssyncset.done $0x0  }
0x37: {  	s10 =	rddreg [dreg:$0x7];
	[sflag:s30] =	ssyncadd.s32 $0xFFFFF000  }
0x38: {  	[spmem:s10] =	stream.linear.scatter [tilespmem:s29], [sflag:$0x1], $0x1000, $0x38;
	[tilespmem:$0x18E08] =	vst v63  }
0x39: {  	_ =	swait.ge [sflag:s30], $0x1000  }
0x3a: {  	[sflag:s30] =	ssyncset.done $0x0  }
0x3b: {  	s8 =	rddreg [dreg:$0x8];
	[sflag:s30] =	ssyncadd.s32 $0xFFFFF000  }
0x3c: {  	[spmem:s8] =	stream.linear.scatter [tilespmem:s29], [sflag:$0x1], $0x1000, $0x38;
	[tilespmem:$0x18E08] =	vst v63  }
0x3d: {  	_ =	swait.ge [sflag:s30], $0x1000  }
0x3e: {  	[sflag:s30] =	ssyncset.done $0x0  }
0x3f: {  	s9 =	rddreg [dreg:$0x9];
	[sflag:s30] =	ssyncadd.s32 $0xFFFFF000  }
0x40: {  	[spmem:s9] =	stream.linear.scatter [tilespmem:s29], [sflag:$0x1], $0x1000, $0x38;
	[tilespmem:$0x18E08] =	vst v63  }
0x41: {  	_ =	swait.ge [sflag:s30], $0x1000  }
0x42: {  	[sflag:s30] =	ssyncset.done $0x0  }
0x43: {  	[sflag:s30] =	ssyncadd.s32 $0xFFFFF000  }
0x44: {  	[spmem:s11] =	stream.linear.scatter [tilespmem:s29], [sflag:$0x1], $0x1000, $0x38;
	[tilespmem:$0x18E08] =	vst v63  }
0x45: {  	_ =	swait.ge [sflag:s30], $0x1000  }
0x46: {  	[sflag:s30] =	ssyncset.done $0x0  }
0x47: {  	[sflag:s30] =	ssyncadd.s32 $0xFFFFF000  }
0x48: {  	[spmem:s12] =	stream.linear.scatter [tilespmem:s29], [sflag:$0x1], $0x1000, $0x38;
	[tilespmem:$0x18E08] =	vst v63  }
0x49: {  	_ =	swait.ge [sflag:s30], $0x1000  }
0x4a: {  	[sflag:s30] =	ssyncset.done $0x0  }
0x4b: {  	[sflag:s30] =	ssyncadd.s32 $0xFFFFF000  }
0x4c: {  	[spmem:s13] =	stream.linear.scatter [tilespmem:s29], [sflag:$0x1], $0x1000, $0x38;
	[tilespmem:$0x18E08] =	vst v63  }
0x4d: {  	_ =	swait.ge [sflag:s30], $0x1000  }
0x4e: {  	[sflag:s30] =	ssyncset.done $0x0  }
0x4f: {  	[sflag:s30] =	ssyncadd.s32 $0xFFFFF000  }
0x50: {  	[spmem:s14] =	stream.linear.scatter [tilespmem:s29], [sflag:$0x1], $0x1000, $0x38;
	[tilespmem:$0x18E08] =	vst v63  }
0x51: {  	_ =	swait.ge [sflag:s30], $0x1000  }
0x52: {  	[sflag:s30] =	ssyncset.done $0x0  }
0x53: {  	[sflag:s30] =	ssyncadd.s32 $0xFFFFF000  }
0x54: {  	[spmem:s21] =	stream.linear.scatter [tilespmem:s29], [sflag:$0x1], $0x1000, $0x38;
	[tilespmem:$0x18E08] =	vst v63  }
0x55: {  	_ =	swait.ge [sflag:s30], $0x1000  }
0x56: {  	[sflag:s30] =	ssyncset.done $0x0  }
0x57: {  	[sflag:s30] =	ssyncadd.s32 $0xFFFFF000  }
0x58: {  	[spmem:s23] =	stream.linear.scatter [tilespmem:s29], [sflag:$0x1], $0x1000, $0x38;
	[tilespmem:$0x18E08] =	vst v63  }
0x59: {  	_ =	swait.ge [sflag:s30], $0x1000  }
0x5a: {  	[sflag:s30] =	ssyncset.done $0x0  }
0x5b: {  	[sflag:s30] =	ssyncadd.s32 $0xFFFFF000  }
0x5c: {  	[spmem:s25] =	stream.linear.scatter [tilespmem:s29], [sflag:$0x1], $0x1000, $0x38;
	[tilespmem:$0x18E08] =	vst v63  }
0x5d: {  	_ =	swait.ge [sflag:s30], $0x1000  }
0x5e: {  	[sflag:s30] =	ssyncset.done $0x0  }
0x5f: {  	[sflag:s30] =	ssyncadd.s32 $0xFFFFF000  }
0x60: {  	[spmem:s26] =	stream.linear.scatter [tilespmem:s29], [sflag:$0x1], $0x1000, $0x38;
	[tilespmem:$0x18E08] =	vst v63  }
0x61: {  	_ =	swait.ge [sflag:s30], $0x1000  }
0x62: {  	[sflag:s30] =	ssyncset.done $0x0  }
0x63: {  	[sflag:s30] =	ssyncadd.s32 $0xFFFFF000  }
0x64: {  	[spmem:s28] =	stream.linear.scatter [tilespmem:s29], [sflag:$0x1], $0x1000, $0x38;
	[tilespmem:$0x18E08] =	vst v63  }
0x65: {  	_ =	swait.ge [sflag:s30], $0x1000  }
0x66: {  	[sflag:s30] =	ssyncset.done $0x0  }
0x67: {  	[sflag:s30] =	ssyncadd.s32 $0xFFFFF000  }
0x68: {  	s10 =	simm.s32 $0x0;
	[bflag:$0x0] =	sbarrier.arrive $0xFFFF  }
0x69: {  	[tilespmem:s31], [sflag:$0x1] =	stream.linear.gather [hbm4b:s15+s10], $0x1880, $0x38;
	[tilespmem:$0x18E08] =	vst v63  }
0x6a: {  	_ =	swait.ge [sflag:s30], $0x1880  }
0x6b: {  	[sflag:s30] =	ssyncset.done $0x0  }
0x6c: {  	[sflag:s30] =	ssyncadd.s32 $0xFFFFE780  }
0x6d: {  	[tilespmem:s0], [sflag:$0x1] =	stream.linear.gather [hbm4b:s16+s10], $0x1880, $0x38;
	[tilespmem:$0x18E08] =	vst v63  }
0x6e: {  	_ =	swait.ge [sflag:s30], $0x1880  }
0x6f: {  	[sflag:s30] =	ssyncset.done $0x0  }
0x70: {  	[sflag:s30] =	ssyncadd.s32 $0xFFFFE780  }
0x71: {  	[tilespmem:s2], [sflag:$0x1] =	stream.linear.gather [hbm4b:s17+s10], $0x1880, $0x38;
	[tilespmem:$0x18E08] =	vst v63  }
0x72: {  	_ =	swait.ge [sflag:s30], $0x1880  }
0x73: {  	[sflag:s30] =	ssyncset.done $0x0  }
0x74: {  	s7 =	simm.s32 $0x0;
	[sflag:s30] =	ssyncadd.s32 $0xFFFFE780  }
0x75: {  	v4 =	vld [tilespmem:s7+$0x10078]  }
0x76: {  	v5 =	vld [tilespmem:s7+$0x118F8]  }
0x77: {  	v6 =	vld [tilespmem:s7+$0x10008]  }
0x78: {  	v7 =	vld [tilespmem:s7+$0x13178]  }
0x79: {  	v8 =	vld [tilespmem:s7+$0x10018]  }
0x7a: {  	v9 =	vld [tilespmem:s7+$0x10028]  }
0x7b: {  	v10 =	vld [tilespmem:s7+$0x10038]  }
0x7c: {  	v11 =	vld [tilespmem:s7+$0x10048];
	v4 =	vshll.u32 v4, $0xE  }
0x7d: {  	v12 =	vld [tilespmem:s7+$0x11888];
	v5 =	vshll.u32 v5, $0x7;
	v4 =	vadd.s32 v0, v4  }
0x7e: {  	v13 =	vld [tilespmem:s7+$0x11898];
	v4 =	vadd.s32 v5, v4  }
0x7f: {  	v14 =	vld [tilespmem:s7+$0x118B8];
	v4 =	vadd.s32 v7, v4  }
0x80: {  	v15 =	vld [tilespmem:s7+$0x118C8];
	vm0 =	vlt.u32 v4, $0x100000  }
0x81: {  	v5 =	vld [tilespmem:s7+$0x10058];
	v4 =	vsel vm0, v4, v3  }
0x82: {  	v6 =	vshll.u32 v6, $0xE;
	[tilespmem:s7+$0x149F8] =	vst v4;
	v4 =	vld [tilespmem:s7+$0x118A8]  }
0x83: {  	v16 =	vld [tilespmem:s7+$0x118D8];
	v8 =	vshll.u32 v8, $0xE;
	v9 =	vshll.u32 v9, $0xE;
	v10 =	vshll.u32 v10, $0xE  }
0x84: {  	v11 =	vshll.u32 v11, $0xE;
	v12 =	vshll.u32 v12, $0x7;
	v6 =	vadd.s32 v0, v6;
	v7 =	vld [tilespmem:s7+$0x10068]  }
0x85: {  	v17 =	vld [tilespmem:s7+$0x118E8];
	v8 =	vadd.s32 v0, v8;
	v9 =	vadd.s32 v0, v9;
	v10 =	vadd.s32 v0, v10  }
0x86: {  	v20 =	vld [tilespmem:s7+$0x13108];
	v18 =	vadd.s32 v0, v11;
	v19 =	vadd.s32 v12, v6;
	v6 =	vshll.u32 v13, $0x7  }
0x87: {  	v22 =	vld [tilespmem:s7+$0x13118];
	v21 =	vadd.s32 v6, v8;
	v5 =	vshll.u32 v5, $0xE;
	v4 =	vshll.u32 v4, $0x7  }
0x88: {  	v13 =	vld [tilespmem:s7+$0x13128];
	v5 =	vadd.s32 v0, v5;
	v11 =	vadd.s32 v4, v9;
	v4 =	vshll.u32 v14, $0x7  }
0x89: {  	v12 =	vld [tilespmem:s7+$0x13138];
	v6 =	vshll.u32 v7, $0xE;
	v7 =	vadd.s32 v4, v10;
	v4 =	vshll.u32 v15, $0x7  }
0x8a: {  	v9 =	vld [tilespmem:s7+$0x13148];
	v10 =	vadd.s32 v0, v6;
	v6 =	vadd.s32 v4, v18;
	v4 =	vshll.u32 v16, $0x7  }
0x8b: {  	v8 =	vld [tilespmem:s7+$0x13158];
	v14 =	vadd.s32 v20, v19;
	v5 =	vadd.s32 v4, v5;
	v4 =	vshll.u32 v17, $0x7  }
0x8c: {  	s8 =	simm.s32 $0x80;
	s9 =	simm.s32 $0x400;
	vm0 =	vlt.u32 v14, $0x100000;
	v15 =	vadd.s32 v22, v21;
	v4 =	vadd.s32 v4, v10;
	v10 =	vld [tilespmem:s7+$0x13168]  }
.LBB2_4:
0x8d: {  	p0 =	sne.s32 s9, $0x6000;
	v16 =	vld [tilespmem:s8+$0x10078];
	v14 =	vsel vm0, v14, v3;
	vm0 =	vlt.u32 v15, $0x100000;
	v11 =	vadd.s32 v13, v11  }
0x8e: {  	v13 =	vld [tilespmem:s8+$0x118F8];
	[tilespmem:s7+$0x14988] =	vst v14;
	v14 =	vsel vm0, v15, v3;
	vm0 =	vlt.u32 v11, $0x100000;
	v7 =	vadd.s32 v12, v7  }
0x8f: {  	v12 =	vld [tilespmem:s8+$0x10008];
	[tilespmem:s7+$0x14998] =	vst v14;
	v11 =	vsel vm0, v11, v3;
	vm0 =	vlt.u32 v7, $0x100000;
	v6 =	vadd.s32 v9, v6  }
0x90: {  	v9 =	vld [tilespmem:s8+$0x13178];
	[tilespmem:s7+$0x149A8] =	vst v11;
	v7 =	vsel vm0, v7, v3;
	vm0 =	vlt.u32 v6, $0x100000;
	v5 =	vadd.s32 v8, v5  }
0x91: {  	v8 =	vld [tilespmem:s8+$0x10018];
	[tilespmem:s7+$0x149B8] =	vst v7;
	v6 =	vsel vm0, v6, v3;
	vm0 =	vlt.u32 v5, $0x100000;
	v4 =	vadd.s32 v10, v4  }
0x92: {  	v7 =	vld [tilespmem:s8+$0x10028];
	v10 =	vshll.u32 v16, $0xE;
	[tilespmem:s7+$0x149C8] =	vst v6;
	v5 =	vsel vm0, v5, v3;
	vm0 =	vlt.u32 v4, $0x100000  }
0x93: {  	v6 =	vld [tilespmem:s8+$0x10038];
	v11 =	vshll.u32 v13, $0x7;
	v10 =	vadd.s32 v0, v10;
	[tilespmem:s7+$0x149D8] =	vst v5;
	v4 =	vsel vm0, v4, v3  }
0x94: {  	v5 =	vshll.u32 v12, $0xE;
	v12 =	vld [tilespmem:s8+$0x10048];
	v10 =	vadd.s32 v11, v10;
	[tilespmem:s7+$0x149E8] =	vst v4;
	s7 =	smov.u32 s8  }
0x95: {  	v4 =	vadd.s32 v0, v5;
	v5 =	vld [tilespmem:s7+$0x10058];
	v9 =	vadd.s32 v9, v10  }
0x96: {  	v8 =	vshll.u32 v8, $0xE;
	v10 =	vld [tilespmem:s7+$0x10068];
	vm0 =	vlt.u32 v9, $0x100000  }
0x97: {  	v11 =	vld [tilespmem:s7+$0x11888];
	v8 =	vadd.s32 v0, v8;
	v7 =	vshll.u32 v7, $0xE;
	v9 =	vsel vm0, v9, v3  }
0x98: {  	v13 =	vld [tilespmem:s7+$0x11898];
	v7 =	vadd.s32 v0, v7;
	v6 =	vshll.u32 v6, $0xE;
	[tilespmem:s7+$0x149F8] =	vst v9  }
0x99: {  	v9 =	vld [tilespmem:s7+$0x118A8];
	v6 =	vadd.s32 v0, v6;
	v12 =	vshll.u32 v12, $0xE  }
0x9a: {  	v14 =	vld [tilespmem:s7+$0x118B8];
	v15 =	vadd.s32 v0, v12;
	v5 =	vshll.u32 v5, $0xE  }
0x9b: {  	v12 =	vld [tilespmem:s7+$0x118C8];
	v5 =	vadd.s32 v0, v5;
	v10 =	vshll.u32 v10, $0xE  }
0x9c: {  	v11 =	vshll.u32 v11, $0x7;
	v16 =	vld [tilespmem:s7+$0x118D8];
	v10 =	vadd.s32 v0, v10  }
0x9d: {  	v4 =	vadd.s32 v11, v4;
	v11 =	vshll.u32 v13, $0x7;
	v17 =	vld [tilespmem:s7+$0x118E8]  }
0x9e: {  	v18 =	vld [tilespmem:s7+$0x13108];
	v19 =	vadd.s32 v11, v8;
	v8 =	vshll.u32 v9, $0x7  }
0x9f: {  	v20 =	vld [tilespmem:s7+$0x13118];
	v11 =	vadd.s32 v8, v7;
	v7 =	vshll.u32 v14, $0x7  }
.Ltmp1:
0xa0: {  	v13 =	vld [tilespmem:s7+$0x13128];
	v7 =	vadd.s32 v7, v6;
	v6 =	vshll.u32 v12, $0x7;
	(pc) =	sbr.rel @p0 .LBB2_4-.Ltmp1, $4  }
0xa1: {  	v12 =	vld [tilespmem:s7+$0x13138];
	v6 =	vadd.s32 v6, v15;
	v8 =	vshll.u32 v16, $0x7  }
0xa2: {  	v9 =	vld [tilespmem:s7+$0x13148];
	v5 =	vadd.s32 v8, v5;
	v15 =	vshll.u32 v17, $0x7  }
0xa3: {  	v14 =	vadd.s32 v18, v4;
	v8 =	vld [tilespmem:s7+$0x13158];
	v4 =	vadd.s32 v15, v10  }
0xa4: {  	s8 =	sshra.s32 s9, $0x2;
	s9 =	sadd.s32 $0x200, s9;
	vm0 =	vlt.u32 v14, $0x100000;
	v15 =	vadd.s32 v20, v19;
	v10 =	vld [tilespmem:s7+$0x13168]  }
0xa5: {  	v16 =	vld [tilespmem:s8+$0x10078];
	v14 =	vsel vm0, v14, v3;
	vm0 =	vlt.u32 v15, $0x100000;
	v11 =	vadd.s32 v13, v11  }
0xa6: {  	v17 =	vld [tilespmem:s8+$0x118F8];
	[tilespmem:s7+$0x14988] =	vst v14;
	v13 =	vsel vm0, v15, v3;
	vm0 =	vlt.u32 v11, $0x100000;
	v7 =	vadd.s32 v12, v7  }
0xa7: {  	v14 =	vld [tilespmem:s8+$0x10008];
	[tilespmem:s7+$0x14998] =	vst v13;
	v11 =	vsel vm0, v11, v3;
	vm0 =	vlt.u32 v7, $0x100000;
	v6 =	vadd.s32 v9, v6  }
0xa8: {  	v12 =	vld [tilespmem:s8+$0x13178];
	[tilespmem:s7+$0x149A8] =	vst v11;
	v7 =	vsel vm0, v7, v3;
	vm0 =	vlt.u32 v6, $0x100000;
	v5 =	vadd.s32 v8, v5  }
0xa9: {  	v9 =	vld [tilespmem:s8+$0x10018];
	[tilespmem:s7+$0x149B8] =	vst v7;
	v6 =	vsel vm0, v6, v3;
	vm0 =	vlt.u32 v5, $0x100000;
	v4 =	vadd.s32 v10, v4  }
0xaa: {  	v7 =	vld [tilespmem:s8+$0x10028];
	[tilespmem:s7+$0x149C8] =	vst v6;
	v5 =	vsel vm0, v5, v3;
	vm0 =	vlt.u32 v4, $0x100000  }
0xab: {  	v6 =	vld [tilespmem:s8+$0x10038];
	[tilespmem:s7+$0x149D8] =	vst v5;
	v5 =	vshll.u32 v16, $0xE;
	v4 =	vsel vm0, v4, v3  }
0xac: {  	v10 =	vshll.u32 v17, $0x7;
	v8 =	vld [tilespmem:s8+$0x10048];
	v5 =	vadd.s32 v0, v5;
	[tilespmem:s7+$0x149E8] =	vst v4  }
0xad: {  	v4 =	vadd.s32 v10, v5;
	v5 =	vld [tilespmem:s8+$0x10058]  }
0xae: {  	v10 =	vld [tilespmem:s8+$0x10068]  }
0xaf: {  	v11 =	vld [tilespmem:s8+$0x11888];
	v4 =	vadd.s32 v12, v4  }
0xb0: {  	v13 =	vshll.u32 v14, $0xE;
	v14 =	vld [tilespmem:s8+$0x118B8];
	vm0 =	vlt.u32 v4, $0x100000  }
0xb1: {  	v12 =	vld [tilespmem:s8+$0x11898];
	v4 =	vsel vm0, v4, v3  }
0xb2: {  	[tilespmem:s8+$0x149F8] =	vst v4;
	v4 =	vld [tilespmem:s8+$0x118A8]  }
0xb3: {  	v13 =	vadd.s32 v0, v13;
	v15 =	vld [tilespmem:s8+$0x118C8];
	v9 =	vshll.u32 v9, $0xE;
	v7 =	vshll.u32 v7, $0xE  }
0xb4: {  	v16 =	vld [tilespmem:s8+$0x118D8];
	v9 =	vadd.s32 v0, v9;
	v7 =	vadd.s32 v0, v7;
	v6 =	vshll.u32 v6, $0xE  }
0xb5: {  	v17 =	vld [tilespmem:s8+$0x118E8];
	v6 =	vadd.s32 v0, v6;
	v8 =	vshll.u32 v8, $0xE;
	v11 =	vshll.u32 v11, $0x7  }
0xb6: {  	v8 =	vadd.s32 v0, v8;
	v11 =	vadd.s32 v11, v13;
	v12 =	vshll.u32 v12, $0x7;
	v13 =	vld [tilespmem:s8+$0x13108]  }
0xb7: {  	v5 =	vshll.u32 v5, $0xE;
	v9 =	vadd.s32 v12, v9;
	v12 =	vld [tilespmem:s8+$0x13118];
	v4 =	vshll.u32 v4, $0x7  }
0xb8: {  	v10 =	vshll.u32 v10, $0xE;
	v4 =	vadd.s32 v4, v7;
	v7 =	vshll.u32 v14, $0x7;
	v14 =	vld [tilespmem:s8+$0x13128]  }
0xb9: {  	v5 =	vadd.s32 v0, v5;
	v6 =	vadd.s32 v7, v6;
	v7 =	vshll.u32 v15, $0x7;
	v15 =	vld [tilespmem:s8+$0x13138]  }
0xba: {  	v10 =	vadd.s32 v0, v10;
	v7 =	vadd.s32 v7, v8;
	v8 =	vshll.u32 v16, $0x7;
	v16 =	vld [tilespmem:s8+$0x13148]  }
0xbb: {  	v11 =	vadd.s32 v13, v11;
	v13 =	vld [tilespmem:s8+$0x13158];
	v5 =	vadd.s32 v8, v5;
	v8 =	vshll.u32 v17, $0x7  }
0xbc: {  	vm0 =	vlt.u32 v11, $0x100000;
	v9 =	vadd.s32 v12, v9;
	v8 =	vadd.s32 v8, v10;
	v10 =	vld [tilespmem:s8+$0x13168]  }
0xbd: {  	v11 =	vsel vm0, v11, v3;
	vm0 =	vlt.u32 v9, $0x100000;
	v4 =	vadd.s32 v14, v4  }
0xbe: {  	[tilespmem:s8+$0x14988] =	vst v11;
	v9 =	vsel vm0, v9, v3;
	vm0 =	vlt.u32 v4, $0x100000;
	v6 =	vadd.s32 v15, v6  }
0xbf: {  	[tilespmem:s8+$0x14998] =	vst v9;
	v4 =	vsel vm0, v4, v3;
	vm0 =	vlt.u32 v6, $0x100000;
	v7 =	vadd.s32 v16, v7  }
0xc0: {  	v5 =	vadd.s32 v13, v5;
	[tilespmem:s8+$0x149A8] =	vst v4;
	v4 =	vsel vm0, v6, v3;
	vm0 =	vlt.u32 v7, $0x100000  }
0xc1: {  	[tilespmem:s8+$0x149B8] =	vst v4;
	v4 =	vsel vm0, v7, v3;
	vm0 =	vlt.u32 v5, $0x100000;
	v6 =	vadd.s32 v10, v8  }
0xc2: {  	[tilespmem:s8+$0x149C8] =	vst v4;
	v4 =	vsel vm0, v5, v3;
	vm0 =	vlt.u32 v6, $0x100000  }
0xc3: {  	[tilespmem:s8+$0x149D8] =	vst v4;
	v4 =	vsel vm0, v6, v3  }
0xc4: {  	s10 =	simm.s32 $0x0;
	[tilespmem:s8+$0x149E8] =	vst v4  }
0xc5: {  	[tilespmem:s31], [sflag:$0x1] =	stream.linear.gather [hbm4b:s18+s10], $0x1880, $0x38;
	[tilespmem:$0x18E08] =	vst v63  }
0xc6: {  	_ =	swait.ge [sflag:s30], $0x1880  }
0xc7: {  	[sflag:s30] =	ssyncset.done $0x0  }
0xc8: {  	[sflag:s30] =	ssyncadd.s32 $0xFFFFE780  }
0xc9: {  	[tilespmem:s0], [sflag:$0x1] =	stream.linear.gather [hbm4b:s19+s10], $0x1880, $0x38;
	[tilespmem:$0x18E08] =	vst v63  }
0xca: {  	_ =	swait.ge [sflag:s30], $0x1880  }
0xcb: {  	[sflag:s30] =	ssyncset.done $0x0  }
0xcc: {  	[sflag:s30] =	ssyncadd.s32 $0xFFFFE780  }
0xcd: {  	[tilespmem:s2], [sflag:$0x1] =	stream.linear.gather [hbm4b:s20+s10], $0x1880, $0x38;
	[tilespmem:$0x18E08] =	vst v63  }
0xce: {  	_ =	swait.ge [sflag:s30], $0x1880  }
0xcf: {  	[sflag:s30] =	ssyncset.done $0x0  }
0xd0: {  	s8 =	simm.s32 $0x0;
	[sflag:s30] =	ssyncadd.s32 $0xFFFFE780  }
0xd1: {  	v4 =	vld [tilespmem:s8+$0x10078]  }
0xd2: {  	v5 =	vld [tilespmem:s8+$0x118F8]  }
0xd3: {  	v6 =	vld [tilespmem:s8+$0x10008]  }
0xd4: {  	v7 =	vld [tilespmem:s8+$0x13178]  }
0xd5: {  	v8 =	vld [tilespmem:s8+$0x10018]  }
0xd6: {  	v9 =	vld [tilespmem:s8+$0x10028]  }
0xd7: {  	v10 =	vld [tilespmem:s8+$0x10038]  }
0xd8: {  	v11 =	vld [tilespmem:s8+$0x10048];
	v4 =	vshll.u32 v4, $0xE  }
0xd9: {  	v12 =	vld [tilespmem:s8+$0x11888];
	v5 =	vshll.u32 v5, $0x7;
	v4 =	vadd.s32 v0, v4  }
0xda: {  	v13 =	vld [tilespmem:s8+$0x11898];
	v4 =	vadd.s32 v5, v4  }
0xdb: {  	v14 =	vld [tilespmem:s8+$0x118B8];
	v4 =	vadd.s32 v7, v4  }
0xdc: {  	v15 =	vld [tilespmem:s8+$0x118C8];
	vm0 =	vlt.u32 v4, $0x100000  }
0xdd: {  	v5 =	vld [tilespmem:s8+$0x10058];
	v4 =	vsel vm0, v4, v3  }
0xde: {  	v6 =	vshll.u32 v6, $0xE;
	[tilespmem:s8+$0x16278] =	vst v4;
	v4 =	vld [tilespmem:s8+$0x118A8]  }
0xdf: {  	v16 =	vld [tilespmem:s8+$0x118D8];
	v8 =	vshll.u32 v8, $0xE;
	v9 =	vshll.u32 v9, $0xE;
	v10 =	vshll.u32 v10, $0xE  }
0xe0: {  	v6 =	vadd.s32 v0, v6;
	v8 =	vadd.s32 v0, v8;
	v9 =	vadd.s32 v0, v9;
	v7 =	vld [tilespmem:s8+$0x10068]  }
0xe1: {  	v18 =	vld [tilespmem:s8+$0x118E8];
	v17 =	vadd.s32 v0, v10;
	v10 =	vshll.u32 v11, $0xE;
	v11 =	vshll.u32 v12, $0x7  }
0xe2: {  	v20 =	vld [tilespmem:s8+$0x13108];
	v19 =	vadd.s32 v0, v10;
	v11 =	vadd.s32 v11, v6;
	v6 =	vshll.u32 v13, $0x7  }
0xe3: {  	v22 =	vld [tilespmem:s8+$0x13118];
	v21 =	vadd.s32 v6, v8;
	v5 =	vshll.u32 v5, $0xE;
	v4 =	vshll.u32 v4, $0x7  }
0xe4: {  	v13 =	vld [tilespmem:s8+$0x13128];
	v5 =	vadd.s32 v0, v5;
	v10 =	vadd.s32 v4, v9;
	v4 =	vshll.u32 v14, $0x7  }
0xe5: {  	v12 =	vld [tilespmem:s8+$0x13138];
	v6 =	vshll.u32 v7, $0xE;
	v7 =	vadd.s32 v4, v17;
	v4 =	vshll.u32 v15, $0x7  }
0xe6: {  	v9 =	vld [tilespmem:s8+$0x13148];
	v15 =	vadd.s32 v0, v6;
	v6 =	vadd.s32 v4, v19;
	v4 =	vshll.u32 v16, $0x7  }
0xe7: {  	v8 =	vld [tilespmem:s8+$0x13158];
	v14 =	vadd.s32 v20, v11;
	v5 =	vadd.s32 v4, v5;
	v4 =	vshll.u32 v18, $0x7  }
0xe8: {  	s9 =	simm.s32 $0x80;
	s7 =	simm.s32 $0x200;
	s10 =	simm.s32 $0x400;
	v11 =	vld [tilespmem:s8+$0x13168];
	vm0 =	vlt.u32 v14, $0x100000;
	v4 =	vadd.s32 v4, v15;
	v15 =	vadd.s32 v22, v21  }
.LBB2_6:
0xe9: {  	p0 =	sne.s32 s10, $0x6000;
	v16 =	vld [tilespmem:s9+$0x10078];
	v14 =	vsel vm0, v14, v3;
	vm0 =	vlt.u32 v15, $0x100000;
	v10 =	vadd.s32 v13, v10  }
0xea: {  	v13 =	vld [tilespmem:s9+$0x118F8];
	[tilespmem:s8+$0x16208] =	vst v14;
	v14 =	vsel vm0, v15, v3;
	vm0 =	vlt.u32 v10, $0x100000;
	v7 =	vadd.s32 v12, v7  }
0xeb: {  	v12 =	vld [tilespmem:s9+$0x10008];
	[tilespmem:s8+$0x16218] =	vst v14;
	v10 =	vsel vm0, v10, v3;
	vm0 =	vlt.u32 v7, $0x100000;
	v6 =	vadd.s32 v9, v6  }
0xec: {  	v9 =	vld [tilespmem:s9+$0x13178];
	[tilespmem:s8+$0x16228] =	vst v10;
	v7 =	vsel vm0, v7, v3;
	vm0 =	vlt.u32 v6, $0x100000;
	v5 =	vadd.s32 v8, v5  }
0xed: {  	v8 =	vld [tilespmem:s9+$0x10018];
	[tilespmem:s8+$0x16238] =	vst v7;
	v6 =	vsel vm0, v6, v3;
	vm0 =	vlt.u32 v5, $0x100000;
	v4 =	vadd.s32 v11, v4  }
0xee: {  	v7 =	vld [tilespmem:s9+$0x10028];
	v10 =	vshll.u32 v16, $0xE;
	[tilespmem:s8+$0x16248] =	vst v6;
	v5 =	vsel vm0, v5, v3;
	vm0 =	vlt.u32 v4, $0x100000  }
0xef: {  	v6 =	vld [tilespmem:s9+$0x10038];
	v11 =	vshll.u32 v13, $0x7;
	v10 =	vadd.s32 v0, v10;
	[tilespmem:s8+$0x16258] =	vst v5;
	v4 =	vsel vm0, v4, v3  }
0xf0: {  	v5 =	vshll.u32 v12, $0xE;
	v12 =	vld [tilespmem:s9+$0x10048];
	v10 =	vadd.s32 v11, v10;
	[tilespmem:s8+$0x16268] =	vst v4;
	s8 =	smov.u32 s9  }
0xf1: {  	v4 =	vadd.s32 v0, v5;
	v5 =	vld [tilespmem:s8+$0x10058];
	v9 =	vadd.s32 v9, v10  }
0xf2: {  	v8 =	vshll.u32 v8, $0xE;
	v10 =	vld [tilespmem:s8+$0x10068];
	vm0 =	vlt.u32 v9, $0x100000  }
0xf3: {  	v11 =	vld [tilespmem:s8+$0x11888];
	v8 =	vadd.s32 v0, v8;
	v7 =	vshll.u32 v7, $0xE;
	v9 =	vsel vm0, v9, v3  }
0xf4: {  	v13 =	vld [tilespmem:s8+$0x11898];
	v7 =	vadd.s32 v0, v7;
	v6 =	vshll.u32 v6, $0xE;
	[tilespmem:s8+$0x16278] =	vst v9  }
0xf5: {  	v9 =	vld [tilespmem:s8+$0x118A8];
	v6 =	vadd.s32 v0, v6;
	v12 =	vshll.u32 v12, $0xE  }
0xf6: {  	v14 =	vld [tilespmem:s8+$0x118B8];
	v15 =	vadd.s32 v0, v12;
	v5 =	vshll.u32 v5, $0xE  }
0xf7: {  	v12 =	vld [tilespmem:s8+$0x118C8];
	v5 =	vadd.s32 v0, v5;
	v10 =	vshll.u32 v10, $0xE  }
0xf8: {  	v11 =	vshll.u32 v11, $0x7;
	v16 =	vld [tilespmem:s8+$0x118D8];
	v17 =	vadd.s32 v0, v10  }
0xf9: {  	v4 =	vadd.s32 v11, v4;
	v10 =	vshll.u32 v13, $0x7;
	v11 =	vld [tilespmem:s8+$0x118E8]  }
0xfa: {  	v18 =	vld [tilespmem:s8+$0x13108];
	v19 =	vadd.s32 v10, v8;
	v8 =	vshll.u32 v9, $0x7  }
0xfb: {  	v20 =	vld [tilespmem:s8+$0x13118];
	v10 =	vadd.s32 v8, v7;
	v7 =	vshll.u32 v14, $0x7  }
.Ltmp2:
0xfc: {  	v13 =	vld [tilespmem:s8+$0x13128];
	v7 =	vadd.s32 v7, v6;
	v6 =	vshll.u32 v12, $0x7;
	(pc) =	sbr.rel @p0 .LBB2_6-.Ltmp2, $4  }
0xfd: {  	v12 =	vld [tilespmem:s8+$0x13138];
	v6 =	vadd.s32 v6, v15;
	v8 =	vshll.u32 v16, $0x7  }
0xfe: {  	v9 =	vld [tilespmem:s8+$0x13148];
	v5 =	vadd.s32 v8, v5;
	v11 =	vshll.u32 v11, $0x7  }
0xff: {  	v14 =	vadd.s32 v18, v4;
	v8 =	vld [tilespmem:s8+$0x13158];
	v4 =	vadd.s32 v11, v17  }
0x100: {  	s9 =	sshra.s32 s10, $0x2;
	s10 =	sadd.s32 $0x200, s10;
	vm0 =	vlt.u32 v14, $0x100000;
	v15 =	vadd.s32 v20, v19;
	v11 =	vld [tilespmem:s8+$0x13168]  }
0x101: {  	v16 =	vld [tilespmem:s9+$0x10078];
	v14 =	vsel vm0, v14, v3;
	vm14 =	vlt.u32 v15, $0x100000;
	v10 =	vadd.s32 v13, v10  }
0x102: {  	v17 =	vld [tilespmem:s9+$0x118F8];
	[tilespmem:s8+$0x16208] =	vst v14;
	v39 =	vsel vm14, v15, v3;
	vm15 =	vlt.u32 v10, $0x100000;
	v7 =	vadd.s32 v12, v7  }
0x103: {  	v14 =	vld [tilespmem:s9+$0x10008];
	[tilespmem:s8+$0x16218] =	vst v39;
	v10 =	vsel vm15, v10, v3;
	vm4 =	vlt.u32 v7, $0x100000;
	v6 =	vadd.s32 v9, v6  }
0x104: {  	v40 =	vld [tilespmem:s9+$0x13178];
	[tilespmem:s8+$0x16228] =	vst v10;
	v7 =	vsel vm4, v7, v3;
	vm5 =	vlt.u32 v6, $0x100000;
	v5 =	vadd.s32 v8, v5  }
0x105: {  	v41 =	vld [tilespmem:s9+$0x10018];
	[tilespmem:s8+$0x16238] =	vst v7;
	v6 =	vsel vm5, v6, v3;
	vm6 =	vlt.u32 v5, $0x100000;
	v4 =	vadd.s32 v11, v4  }
0x106: {  	v7 =	vld [tilespmem:s9+$0x10028];
	[tilespmem:s8+$0x16248] =	vst v6;
	v5 =	vsel vm6, v5, v3;
	vm7 =	vlt.u32 v4, $0x100000  }
0x107: {  	v6 =	vld [tilespmem:s9+$0x10038];
	[tilespmem:s8+$0x16258] =	vst v5;
	v5 =	vshll.u32 v16, $0xE;
	v4 =	vsel vm7, v4, v3  }
0x108: {  	v43 =	vshll.u32 v17, $0x7;
	v42 =	vld [tilespmem:s9+$0x10048];
	v5 =	vadd.s32 v0, v5;
	[tilespmem:s8+$0x16268] =	vst v4  }
0x109: {  	v4 =	vadd.s32 v43, v5;
	v5 =	vld [tilespmem:s9+$0x10058]  }
0x10a: {  	v44 =	vld [tilespmem:s9+$0x10068]  }
0x10b: {  	v45 =	vld [tilespmem:s9+$0x11888]  }
0x10c: {  	v46 =	vld [tilespmem:s9+$0x11898]  }
0x10d: {  	v48 =	vld [tilespmem:s9+$0x118B8]  }
0x10e: {  	v49 =	vld [tilespmem:s9+$0x118C8]  }
0x10f: {  	v47 =	vshll.u32 v14, $0xE;
	v50 =	vld [tilespmem:s9+$0x118D8]  }
0x110: {  	v13 =	vadd.s32 v0, v47;
	v51 =	vld [tilespmem:s9+$0x118E8];
	v4 =	vadd.s32 v40, v4;
	v9 =	vshll.u32 v41, $0xE  }
0x111: {  	v52 =	vld [tilespmem:s9+$0x13108];
	vm8 =	vlt.u32 v4, $0x100000;
	v7 =	vshll.u32 v7, $0xE;
	v9 =	vadd.s32 v0, v9  }
0x112: {  	v53 =	vld [tilespmem:s9+$0x13118];
	v4 =	vsel vm8, v4, v3;
	v7 =	vadd.s32 v0, v7;
	v6 =	vshll.u32 v6, $0xE  }
0x113: {  	v57 =	vld [tilespmem:s9+$0x13138];
	v6 =	vadd.s32 v0, v6;
	v8 =	vshll.u32 v42, $0xE;
	v11 =	vshll.u32 v45, $0x7  }
0x114: {  	[tilespmem:s9+$0x16278] =	vst v4;
	v4 =	vld [tilespmem:s9+$0x118A8];
	v8 =	vadd.s32 v0, v8;
	v12 =	vshll.u32 v46, $0x7;
	v5 =	vshll.u32 v5, $0xE  }
0x115: {  	v54 =	vshll.u32 v48, $0x7;
	v10 =	vshll.u32 v44, $0xE;
	v56 =	vshll.u32 v49, $0x7  }
0x116: {  	v55 =	vld [tilespmem:s9+$0x13128];
	v58 =	vshll.u32 v50, $0x7;
	v60 =	vshll.u32 v51, $0x7;
	v11 =	vadd.s32 v11, v13  }
0x117: {  	v59 =	vld [tilespmem:s9+$0x13148];
	v9 =	vadd.s32 v12, v9;
	v5 =	vadd.s32 v0, v5;
	v6 =	vadd.s32 v54, v6  }
0x118: {  	v61 =	vld [tilespmem:s9+$0x13158];
	v10 =	vadd.s32 v0, v10;
	v5 =	vadd.s32 v58, v5;
	v11 =	vadd.s32 v52, v11  }
0x119: {  	v9 =	vadd.s32 v53, v9;
	v6 =	vadd.s32 v57, v6;
	v4 =	vshll.u32 v4, $0x7  }
0x11a: {  	v62 =	vld [tilespmem:s9+$0x13168];
	vm9 =	vlt.u32 v11, $0x100000;
	vm10 =	vlt.u32 v9, $0x100000;
	v4 =	vadd.s32 v4, v7  }
0x11b: {  	vm12 =	vlt.u32 v6, $0x100000;
	v11 =	vsel vm9, v11, v3;
	v4 =	vadd.s32 v55, v4  }
0x11c: {  	v9 =	vsel vm10, v9, v3;
	v7 =	vadd.s32 v56, v8;
	[tilespmem:s9+$0x16208] =	vst v11;
	vm11 =	vlt.u32 v4, $0x100000  }
0x11d: {  	v5 =	vadd.s32 v61, v5;
	[tilespmem:s9+$0x16218] =	vst v9;
	v7 =	vadd.s32 v59, v7;
	v4 =	vsel vm11, v4, v3  }
0x11e: {  	v8 =	vadd.s32 v60, v10;
	vm13 =	vlt.u32 v7, $0x100000;
	[tilespmem:s9+$0x16228] =	vst v4;
	v4 =	vsel vm12, v6, v3  }
0x11f: {  	vm14 =	vlt.u32 v5, $0x100000;
	v63 =	vadd.s32 v62, v8;
	[tilespmem:s9+$0x16238] =	vst v4;
	v4 =	vsel vm13, v7, v3  }
0x120: {  	vm15 =	vlt.u32 v63, $0x100000;
	[tilespmem:s9+$0x16248] =	vst v4;
	v4 =	vsel vm14, v5, v3  }
0x121: {  	[tilespmem:s9+$0x16258] =	vst v4;
	v4 =	vsel vm15, v63, v3  }
0x122: {  	s10 =	simm.s32 $0x14988;
	[tilespmem:s9+$0x16268] =	vst v4  }
0x123: {  	[spmem:s1] =	stream.indirect.scatter.add.f32 [tilespmem:s6], [sflag:$0x1], $0x1, s10, s5, $0xb8;
	[tilespmem:$0x18E08] =	vst v63  }
0x124: {  	_ =	swait.ge [sflag:s30], $0x80  }
.LBB2_8:
0x125: {  	s8 =	sshra.s32 s7, $0x2;
	[sflag:s30] =	ssyncset.done $0x0;
	p0 =	sne.s32 s7, $0xC200  }
.Ltmp3:
0x126: {  	s8 =	sadd.s32 $0x14988, s8;
	[sflag:s30] =	ssyncadd.s32 $0xFFFFFF80;
	(pc) =	sbr.rel @p0 .LBB2_8-.Ltmp3, $3  }
0x127: {  	[spmem:s1] =	stream.indirect.scatter.add.f32 [tilespmem:s6], [sflag:$0x1], $0x1, s8, s5, $0xb8;
	[tilespmem:$0x18E08] =	vst v63  }
0x128: {  	s7 =	sadd.s32 $0x200, s7;
	_ =	sdelay $0x1  }
0x129: {  	_ =	swait.ge [sflag:s30], $0x80  }
0x12a: {  	[sflag:s30] =	ssyncset.done $0x0  }
0x12b: {  	s7 =	stileid.u32;
	s8 =	sshrl.u32 s4, $0x3;
	s3 =	sadd.s32 $0x1, s3  }
0x12c: {  	[sflag:s30] =	ssyncadd.s32 $0xFFFFFF80;
	s7 =	sshll.u32 s7, $0x6;
	p0 =	sne.s32 s3, s24  }
.Ltmp4:
0x12d: {  	[bflag:$0x0] =	sbarrier.arrive $0xFFFF;
	s7 =	sor.u32 $0x1C01, s7;
	(pc) =	sbr.rel @p0 .LBB2_1-.Ltmp4, $4  }
0x12e: {  	[hbm:s22], [sflag:s7] =	dma.local [spmem:s8], $0x2000  }
0x12f: {  	_ =	swait.ge [sflag:s30], $0x2000  }
0x130: {  	[sflag:s30] =	ssyncset.done $0x0  }
0x131: {  	[sflag:s30] =	ssyncadd.s32 $0xFFFFE000  }
0x132: {  	_ =	sfence.sel $0x180000  }
0x133: {  	[bflag:$0x0] =	sbarrier.arrive $0xFFFF  }
0x134: {  	_ =	strace $0x90000047  }
0x135: {  	s0 =	stileid.u32;
	[bflag:$0x2] =	sbarrier.arrive $0xFFFF  }
0x136: {  	p0 =	sne.s32 s0, $0x0;
	s0 =	rddreg [dreg:$0x3]  }
0x137: {  	s0 =	sadd.s32 @!p0 $0x100000, s0  }
0x138: {  	[sflag:s0] =	ssyncadd.tile.s32 @!p0 $0x1;
	_ =	shalt  }
.Lfunc_end2:
_tile_overlayer_lowered:
.L_overlay_start_2:
0x139: {  	(tag) =	ssettag $0x2  }
0x13a: {  	s0 =	rddreg [dreg:$0x0];
	s2 =	stileid.u32  }
0x13b: {  	s1 =	rddreg [dreg:$0x1];
	p0 =	sne.s32 s2, $0x0  }
0x13c: {  	s3 =	rddreg [dreg:$0x2];
	[bflag:$0x3] =	sbarrier.arrive $0xFFFF;
	s2 =	simm.s32 @!p0 $0x1C01  }
0x13d: {  	[timem:s3], [sflag:s2] =	dma.local @!p0 [hbm:s0], s1  }
0x13e: {  	s0 =	simm.s32 @!p0 $0x1  }
0x13f: {  	_ =	swait.ge @!p0 [sflag:s0], s1  }
0x140: {  	s1 =	ssub.s32 @!p0 $0x0, s1;
	[sflag:s0] =	ssyncset.done @!p0 $0x0  }
0x141: {  	[sflag:s0] =	ssyncadd.s32 @!p0 s1  }
0x142: {  	[bflag:$0x3] =	sbarrier.arrive $0xFFFF  }
0x143: {  	_ =	shalt  }

// kernel: sparse-core-data-format-call.cloned.1.call-start
scs
called_computation_lowered:
.L_overlay_start_0:
0x0: {  	s2 =	sld [smem:$0x3FD9]  }
0x1: {  	s3 =	sld [smem:$0x3FFE];
	_ =	sdelay $0x1  }
0x2: {  	s1 =	srdreg.scid  }
0x3: {  	s0 =	sand.u32 $0x1, s1  }
0x4: {  	s18 =	sshll.u32 s0, $0xA;
	s2 =	sadd.s32 s3, s2  }
0x5: {  	s2 =	sadd.s32 s2, s18  }
0x6: {  	[smem:$0x3FC6] =	sst s2  }
0x7: {  	_ = 	snop  }
0x8: {  	s2 =	sld [smem:$0x3FD0];
	(tm) =	ssettm $0x1  }
0x9: {  	s19 =	sld [smem:$0x3FFB];
	_ =	sdelay $0x3  }
0xa: {  	_ =	strace s19  }
0xb: {  	s3 =	sld [smem:$0x3FFC];
	_ =	sdelay $0x3  }
0xc: {  	_ =	strace s3  }
0xd: {  	s3 =	sld [smem:$0x3FFD];
	_ =	sdelay $0x3  }
0xe: {  	_ =	strace s3  }
0xf: {  	_ =	strace $0x8FFFFFFF  }
0x10: {  	s20 =	sld [smem:$0x3FDB];
	_ =	sdelay $0x1  }
0x11: {  	s4 =	simm.s32 $_scs_section_size  }
0x12: {  	s5 =	simm.s32 $_size__tile_overlayer_lowered;
	s6 =	simm.s32 $_tile_overlayer_lowered  }
0x13: {  	s23 =	simm.s32 $0x1BFF;
	s22 =	sshll.u32 s6, $0x1;
	s3 =	sadd.s32 s4, s20  }
0x14: {  	s7 =	simm.s32 $0x0;
	s21 =	sshll.u32 s5, $0x1;
	s5 =	sadd.s32 s22, s3  }
0x15: {  	[timem:s7], [sflag:s23] =	dma.local [hbm:s5], s21  }
0x16: {  	_ =	swait.ge [sflag:s23], s21  }
0x17: {  	s4 =	ssub.s32 $0x0, s21;
	[sflag:s23] =	ssyncset.done $0x0  }
0x18: {  	[sflag:s23] =	ssyncadd.s32 s4;
	_ =	sdelay $0x1  }
0x19: {  	s24 =	simm.s32 $0x1B8B  }
0x1a: {  	_ =	swait.ge [sflag:s24], $0x1  }
0x1b: {  	[sflag:s24] =	ssyncset.done $0x0  }
0x1c: {  	s26 =	simm.s32 $0x1B8E;
	s25 =	sld [smem:$0x3FFE];
	[sflag:s24] =	ssyncadd.s32 $0xFFFFFFFF  }
0x1d: {  	s27 =	simm.s32 $execute0_lowered;
	[smem:$0x3FD2] =	sst s26  }
0x1e: {  	s5 =	sshll.u32 s27, $0x1;
	_ =	strace $0x80000049;
	[dreg:$0x1] =	wrdreg $0xFFFFFFFF  }
0x1f: {  	s28 =	simm.s32 $_size_execute0_lowered;
	s3 =	sadd.s32 s3, s5;
	[dreg:$0x0] =	wrdreg $0x0  }
0x20: {  	s5 =	sshll.u32 s28, $0x1;
	[dreg:$0x2] =	wrdreg s3  }
0x21: {  	[dreg:$0x3] =	wrdreg s5  }
0x22: {  	[dreg:$0x4] =	wrdreg $0xC0  }
0x23: {  	_ =	task [dreg:s7], $0x5FFFF  }
0x24: {  	[dreg:$0x1] =	wrdreg $0xFFFFFFFF  }
0x25: {  	[dreg:$0x0] =	wrdreg $0x60  }
0x26: {  	[dreg:$0x2] =	wrdreg s25  }
0x27: {  	[dreg:$0x3] =	wrdreg s2  }
0x28: {  	[dreg:$0x4] =	wrdreg $0x9  }
0x29: {  	_ =	task.clear_ibuf [dreg:s7], $0x5FFFF;
	_ =	strace $0x90000049  }
0x2a: {  	s29 =	simm.s32 $0x9;
	_ =	strace $0x8000004B  }
0x2b: {  	_ =	swait.ge [sflag:s29], $0x1  }
0x2c: {  	[sflag:s29] =	ssyncadd.s32 $0xFFFFFFFF  }
0x2d: {  	_ =	strace $0x9000004B  }
0x2e: {  	_ =	sfence  }
0x2f: {  	s30 =	sld [smem:$0x0];
	_ =	sdelay $0x2  }
0x30: {  	s31 =	sshll.u32 s1, $0xD;
	s1 =	sshrl.u32 s1, $0x2  }
0x31: {  	s3 =	sand.u32 $0x4000, s31;
	s1 =	sadd.s32 s1, s30  }
0x32: {  	s0 =	sor.u32 s3, s0;
	s1 =	sshll.u32 s1, $0x11  }
0x33: {  	s0 =	sor.u32 s1, s0  }
0x34: {  	s0 =	sadd.s32 $0x8F2B, s0  }
0x35: {  	[sflag:s0] =	ssyncadd.remote.s32 $0x1  }
0x36: {  	_ =	sfence.sel $0xFFFF  }
0x37: {  	[dreg:$0x0] =	wrdreg $0xFFFFFFFF;
	(pc) =	sbr.abs _section_cstart, $3  }
0x38: {  	[dreg:$0x1] =	wrdreg $0xFFFFFFFF  }
0x39: {  	_ =	task.clear_ibuf [dreg:s7], $0x2FFFF;
	_ =	strace $0x9FFFFFFF  }
0x3a: {  	(tm) =	ssettm $0x7FFFFFFF  }
0x3b: {  	_ =	shalt  }
tec
execute0_lowered:
.L_overlay_start_1:
0x0: {  	(tag) =	ssettag $0x1  }
0x1: {  	s4 =	rddreg [dreg:$0x0]  }
0x2: {  	s2 =	rddreg [dreg:$0x1]  }
0x3: {  	s0 =	rddreg [dreg:$0x2];
	_ =	strace $0x8000004A  }
0x4: {  	s3 =	srdreg.scid;
	s1 =	stileid.u32;
	s6 =	simm.s32 $0x2  }
.Ltmp0:
0x5: {  	p0 =	por $0x0, $0x0;
	s10 =	simm.s32 $0x0;
	(pc) =	sbr.rel .LBB1_1-.Ltmp0, $4  }
0x6: {  	s11 =	simm.s32 $0x0;
	s8 =	simm.s32 $0x0;
	s5 =	sshll.u32 s3, $0x4  }
0x7: {  	s7 =	simm.s32 $0x0;
	s3 =	simm.s32 $0x1;
	s5 =	sand.u32 $0x10, s5  }
0x8: {  	s4 =	sadd.s32 $0xC00, s4;
	[sflag:s3] =	ssyncpa.u1 $0x0;
	s5 =	sor.u32 s1, s5  }
0x9: {  	[sflag:s6] =	ssyncpa.u1 $0x0;
	s6 =	simm.s32 $0x0;
	s9 =	smov.u32 s5  }
.LBB1_7:
0xa: {  	s12 =	sadd.s32 $0x4, s8  }
0xb: {  	s10 =	sadd.s32 $0x20, s9;
	s14 =	smov.u32 s9;
	p2 =	sgt.s32 s12, $0x7F  }
0xc: {  	p1 =	slt.u32 s7, $0x2;
	s14 =	smov.u32 @p2 s10  }
0xd: {  	s7 =	sadd.s32 $0x1, s7;
	s12 =	simm.s32 @p2 $0x0;
	p2 =	sgt.s32 s14, $0x7F  }
0xe: {  	s14 =	smov.u32 @p2 s5;
	p2 =	sne.s32 s7, $0x82  }
.Ltmp1:
0xf: {  	_ = 	snop;
	(pc) =	sbr.rel @!p2 .LBB1_8-.Ltmp1, $4  }
0x10: {  	s13 =	simm.s32 @!p1 $0x2  }
0x11: {  	s11 =	smov.u32 s9;
	_ =	swait.ge @!p1 [sflag:s13], $0x4000  }
0x12: {  	p0 =	por !p0, !p0;
	s10 =	smov.u32 s8;
	[sflag:s13] =	ssyncset.done @!p1 $0x0  }
0x13: {  	s8 =	smov.u32 s12;
	[sflag:s13] =	ssyncadd.s32 @!p1 $0xFFFFC000;
	s9 =	smov.u32 s14  }
.LBB1_1:
0x14: {  	p1 =	sgt.u32 s7, $0x7F  }
0x15: {  	s12 =	sxor.u32 @!p1 $0xFFFFFFFF, s7;
	s13 =	sshll.u32 @!p1 s9, $0x12;
	s14 =	sshll.u32 @!p1 s8, $0xB  }
0x16: {  	s15 =	simm.s32 @!p1 $0x80;
	s12 =	sshll.u32 @!p1 s12, $0xE;
	s13 =	sadd.s32 @!p1 s4, s13  }
0x17: {  	s12 =	sand.u32 @!p1 $0x4000, s12;
	s13 =	sadd.s32 @!p1 s14, s13;
	s14 =	simm.s32 @!p1 $0x20  }
0x18: {  	[tilespmem:s12], [sflag:$0x1] =	stream.strided.gather @!p1 [hbm4b:s13+s14], $0x4000, s15, s14, $0x38;
	[tilespmem:$0x10100] =	vst v63  }
0x19: {  	p1 =	seq.s32 s7, $0x0  }
0x1a: {  	p2 =	seq.s32 @!p1 s7, $0x81  }
0x1b: {  	p1 =	por p1, p2  }
.Ltmp2:
0x1c: {  	_ = 	snop;
	(pc) =	sbr.rel @p1 .LBB1_7-.Ltmp2, $1  }
0x1d: {  	_ =	sdelay $0x3  }
0x1e: {  	s13 =	simm.s32 $0x1;
	s14 =	sand.u32 $0x1, s7  }
0x1f: {  	_ =	swait.ge [sflag:s3], $0x4000;
	s13 =	simm.s32 @!p0 $0x0;
	s15 =	smul.u32 $0x10200, s14  }
0x20: {  	[sflag:s3] =	ssyncset.done $0x0;
	s12 =	smul.u32 $0x10200, s13  }
0x21: {  	s13 =	sshll.u32 s13, $0xE;
	[sflag:s3] =	ssyncadd.s32 $0xFFFFC000  }
0x22: {  	s14 =	sor.u32 $0x10, s13;
	s31 =	sshrl.u32 s15, $0x2;
	s12 =	sshrl.u32 s12, $0x2  }
0x23: {  	s15 =	simm.s32 $0x0;
	s13 =	sor.u32 $0x8000, s31;
	s12 =	sor.u32 $0x8000, s12  }
.LBB1_3:
0x24: {  	v1 =	vld [tilespmem:s14+$0x0]  }
0x25: {  	v0 =	vld [tilespmem:s14+$0xFFFFFFF0];
	_ =	sdelay $0x2  }
0x26: {  	s18 =	sadd.s32 $0x0, s12  }
0x27: {  	s16 =	simm.s32 $0x4;
	s17 =	sadd.s32 $0x20, s14;
	[tilespmem:s18+$0x810 ss:$0x81] =	vst.msk $0xffff, v1  }
.LBB1_4:
0x28: {  	v1 =	vld [tilespmem:s17+$0x0];
	p1 =	sne.s32 s16, $0x1FC;
	[tilespmem:s18+$0x0 ss:$0x81] =	vst.msk $0xffff, v0;
	s18 =	smov.u32 s16;
	s16 =	sadd.s32 $0x4, s16  }
.Ltmp3:
0x29: {  	v0 =	vld [tilespmem:s17+$0xFFFFFFF0];
	(pc) =	sbr.rel @p1 .LBB1_4-.Ltmp3, $4  }
0x2a: {  	_ = 	snop  }
0x2b: {  	s18 =	sshra.s32 s18, $0x2  }
0x2c: {  	s18 =	sadd.s32 s18, s12  }
0x2d: {  	s17 =	sadd.s32 $0x20, s17;
	[tilespmem:s18+$0x810 ss:$0x81] =	vst.msk $0xffff, v1  }
0x2e: {  	s15 =	sadd.s32 $0x1, s15  }
0x2f: {  	p1 =	sne.s32 s15, $0x4  }
.Ltmp4:
0x30: {  	_ = 	snop;
	(pc) =	sbr.rel @p1 .LBB1_3-.Ltmp4, $2  }
0x31: {  	_ =	sdelay $0x2  }
0x32: {  	[tilespmem:s18+$0x0 ss:$0x81] =	vst.msk $0xffff, v0;
	s12 =	sadd.s32 $0x1020, s12;
	s14 =	sadd.s32 $0x1000, s14  }
.Ltmp5:
0x33: {  	(pc) =	sbr.rel .LBB1_7-.Ltmp5, $4  }
0x34: {  	s11 =	sshll.u32 s11, $0x10  }
0x35: {  	s10 =	sshll.u32 s10, $0x9;
	s11 =	sadd.s32 s2, s11  }
0x36: {  	s10 =	sadd.s32 s10, s11  }
0x37: {  	[hbm4b:s10+s6] =	stream.linear.scatter [tilespmem:s13], [sflag:$0x2], $0x4000, $0x20;
	[tilespmem:$0x10100] =	vst v63  }
.LBB1_8:
0x38: {  	_ =	sfence.sel $0x180000  }
0x39: {  	s2 =	simm.s32 $0x1;
	[bflag:$0x0] =	sbarrier.arrive $0xFFFF  }
0x3a: {  	s31 =	simm.s32 $0x2;
	[sflag:s2] =	ssyncpa.u1 $0x1  }
0x3b: {  	[sflag:s31] =	ssyncpa.u1 $0x1  }
0x3c: {  	p0 =	sne.s32 s1, $0x0;
	_ =	strace $0x9000004A  }
0x3d: {  	s0 =	sadd.s32 @!p0 $0x100000, s0;
	[bflag:$0x2] =	sbarrier.arrive $0xFFFF  }
0x3e: {  	[sflag:s0] =	ssyncadd.tile.s32 @!p0 $0x1;
	_ =	shalt  }
.Lfunc_end1:
_tile_overlayer_lowered:
.L_overlay_start_2:
0x3f: {  	(tag) =	ssettag $0x2  }
0x40: {  	s0 =	rddreg [dreg:$0x0];
	s2 =	stileid.u32  }
0x41: {  	s1 =	rddreg [dreg:$0x1];
	p0 =	sne.s32 s2, $0x0  }
0x42: {  	s3 =	rddreg [dreg:$0x2];
	[bflag:$0x3] =	sbarrier.arrive $0xFFFF;
	s2 =	simm.s32 @!p0 $0x1C01  }
0x43: {  	[timem:s3], [sflag:s2] =	dma.local @!p0 [hbm:s0], s1  }
0x44: {  	s0 =	simm.s32 @!p0 $0x1  }
0x45: {  	_ =	swait.ge @!p0 [sflag:s0], s1  }
0x46: {  	s1 =	ssub.s32 @!p0 $0x0, s1;
	[sflag:s0] =	ssyncset.done @!p0 $0x0  }
0x47: {  	[sflag:s0] =	ssyncadd.s32 @!p0 s1  }
0x48: {  	[bflag:$0x3] =	sbarrier.arrive $0xFFFF  }
0x49: {  	_ =	shalt  }

</sc_bundles>
